<compile_context>
chip_gen: v7x
topology: tpu7x:2x2x1
jax: 0.10.2.dev20260603
libtpu: 0.0.44.dev20260713+nightly
codegen_flags: <defaults>
</compile_context>

<pallas_src>
import functools

import jax
import jax.numpy as jnp
from jax import lax
from jax.experimental import pallas as pl
from jax.experimental.pallas import tpu as pltpu
from jax.experimental.pallas import tpu_sc as plsc

SEQ = 8192
BSZ = 4
DIM = 1024
CHUNK = 120
CHUNKS = (120, 120, 16)


def _make_sc_broadcast():
    info = plsc.get_sparse_core_info()
    nc, ns = info.num_cores, info.num_subcores
    nw = nc * ns
    rows_per_w = SEQ // nw

    mesh = plsc.VectorSubcoreMesh(core_axis_name="c", subcore_axis_name="s")

    @functools.partial(
        pl.kernel,
        out_type=jax.ShapeDtypeStruct((SEQ, BSZ, DIM), jnp.float32),
        mesh=mesh,
        scratch_types=[
            pltpu.VMEM((1, CHUNK, DIM), jnp.float32),
            pltpu.SemaphoreType.DMA,
            pltpu.SemaphoreType.DMA,
        ],
    )
    def body(w_hbm, out_hbm, buf, rsem0, wsem0):
        rsems = (rsem0,)
        wsems = (wsem0,)
        wid = lax.axis_index("s") * nc + lax.axis_index("c")
        base = wid * rows_per_w
        nchunks = len(CHUNKS)
        offs = [sum(CHUNKS[:i]) for i in range(nchunks)]

        def start_read(i, slot):
            n = CHUNKS[i]
            return pltpu.async_copy(
                w_hbm.at[pl.ds(base + offs[i], n)],
                buf.at[slot, pl.ds(0, n)],
                rsems[slot],
            )

        def fire_writes(i, slot):
            n = CHUNKS[i]
            return [
                pltpu.async_copy(
                    buf.at[slot, pl.ds(0, n)],
                    out_hbm.at[pl.ds(base + offs[i], n), b],
                    wsems[slot],
                )
                for b in range(BSZ)
            ]

        for i in range(nchunks):
            start_read(i, 0).wait()
            for c in fire_writes(i, 0):
                c.wait()

    return body


_sc_broadcast = _make_sc_broadcast()


def kernel(input, weights):
    del input
    return _sc_broadcast(weights)

# --- scband reference (transcript-rebuilt; emitter-appended) ---
"""Pipeline reference for scband-sinusoidal-positional-embedding-3539053052717 (READ-ONLY COPY).

The authoritative reference and input builder live on the scoring server;
editing this copy changes nothing except your own understanding.
"""

import jax, jax.numpy as jnp
import numpy as np
import math

EMBEDDING_DIM = 1024
INIT_SIZE = 8192
SEQ_LEN = 8192
BSZ = 4


def get_embedding(num_embeddings, embedding_dim):
    half_dim = embedding_dim // 2
    emb = math.log(10000) / (half_dim - 1)
    emb = jnp.exp(jnp.arange(half_dim, dtype=jnp.float32) * -emb)
    emb = jnp.arange(num_embeddings, dtype=jnp.float32)[:, None] * emb[None, :]
    emb = jnp.concatenate([jnp.sin(emb), jnp.cos(emb)], axis=1).reshape(num_embeddings, -1)
    if embedding_dim % 2 == 1:
        emb = jnp.concatenate([emb, jnp.zeros((num_embeddings, 1), dtype=jnp.float32)], axis=1)
    return emb


def setup_inputs(seed: int = 0) -> dict:
    key = jax.random.key(seed)
    k1, = jax.random.split(key, 1)
    input_ids = jax.random.randint(k1, (SEQ_LEN, BSZ), 0, 1000, dtype=jnp.int32)
    weights = get_embedding(INIT_SIZE, EMBEDDING_DIM)
    return {"input": input_ids, "weights": weights}


def reference(input, weights):
    # Input is expected to be of size [seq_len x bsz]; only its shape is used.
    seq_len, bsz = input.shape
    offset = 0
    positions = offset + jnp.arange(seq_len)
    res = jnp.take(weights, positions, axis=0)  # gather: [seq_len, dim]
    res = res[:, None, :]
    res = jnp.broadcast_to(res, (seq_len, bsz, weights.shape[1]))
    # torch .detach() -> stop_gradient
    return jax.lax.stop_gradient(res)

if __name__ == "__main__":
    import jax
    _d = setup_inputs()
    print(jax.jit(kernel)(*tuple(_d.values())))

</pallas_src>

<mosaic_0001>
#map = affine_map<(d0, d1) -> (0, 0)>
#map1 = affine_map<(d0, d1) -> (0, 0, 0)>
module attributes {stable_mosaic.version = 14 : i64} {
  func.func @body(%arg0: i32, %arg1: i32, %arg2: memref<8192x1024xf32, #tpu.memory_space<hbm>>, %arg3: memref<8192x4x1024xf32, #tpu.memory_space<hbm>>, %arg4: memref<1x120x1024xf32, #tpu.memory_space<vmem>>, %arg5: memref<!tpu.dma_semaphore, #tpu.memory_space<semaphore_mem>>, %arg6: memref<!tpu.dma_semaphore, #tpu.memory_space<semaphore_mem>>) attributes {dimension_semantics = [#tpu.dimension_semantics<core_parallel>, #tpu.dimension_semantics<subcore_parallel>], iteration_bounds = array<i64: 2, 16>, scalar_prefetch = 0 : i64, scratch_operands = 3 : i64, tpu.core_type = #tpu.core_type<sc_vector_subcore>, window_params = [{transform_indices = #map}, {transform_indices = #map1}]} {
    %mul3A = arith.constant 2 : i32
    %mul3A_0 = arith.muli %arg1, %mul3A : i32
    %add3A = arith.addi %mul3A_0, %arg0 : i32
    %mul3A_1 = arith.constant 256 : i32
    %mul3A_2 = arith.muli %add3A, %mul3A_1 : i32
    %add3A_3 = arith.constant 0 : i32
    %add3A_4 = arith.addi %mul3A_2, %add3A_3 : i32
    %dma_start3A = arith.constant 0 : i32
    %dma_start3A_5 = arith.constant 0 : i32
    %dma_start3A_6 = arith.constant 0 : i32
    %dma_start3A_7 = tpu.memref_slice %arg4[%dma_start3A, %dma_start3A_5, %dma_start3A_6] : memref<1x120x1024xf32, #tpu.memory_space<vmem>> -> memref<1x120x1024xf32, #tpu.memory_space<vmem>>
    %dma_start3A_8 = tpu.memref_squeeze %dma_start3A_7 : memref<1x120x1024xf32, #tpu.memory_space<vmem>> -> memref<120x1024xf32, #tpu.memory_space<vmem>>
    %dma_start3A_9 = arith.constant 0 : i32
    %dma_start3A_10 = tpu.memref_slice %arg2[%add3A_4, %dma_start3A_9] : memref<8192x1024xf32, #tpu.memory_space<hbm>> -> memref<120x1024xf32, #tpu.memory_space<hbm>>
    %dma_start3A_11 = arith.constant 0 : i32
    %dma_start3A_12 = arith.constant 0 : i32
    %dma_start3A_13 = tpu.memref_slice %arg4[%dma_start3A, %dma_start3A_11, %dma_start3A_12] : memref<1x120x1024xf32, #tpu.memory_space<vmem>> -> memref<1x120x1024xf32, #tpu.memory_space<vmem>>
    %dma_start3A_14 = tpu.memref_squeeze %dma_start3A_13 : memref<1x120x1024xf32, #tpu.memory_space<vmem>> -> memref<120x1024xf32, #tpu.memory_space<vmem>>
    %dma_start3A_15 = arith.constant 0 : i32
    %dma_start3A_16 = tpu.memref_slice %arg2[%add3A_4, %dma_start3A_15] : memref<8192x1024xf32, #tpu.memory_space<hbm>> -> memref<120x1024xf32, #tpu.memory_space<hbm>>
    tpu.enqueue_dma source(%dma_start3A_16 : memref<120x1024xf32, #tpu.memory_space<hbm>>) target(%dma_start3A_14 : memref<120x1024xf32, #tpu.memory_space<vmem>>) target_semaphore(%arg5 : memref<!tpu.dma_semaphore, #tpu.memory_space<semaphore_mem>>)
    %dma_wait3A = arith.constant 0 : i32
    %dma_wait3A_17 = arith.constant 0 : i32
    %dma_wait3A_18 = arith.constant 0 : i32
    %dma_wait3A_19 = tpu.memref_slice %arg4[%dma_wait3A, %dma_wait3A_17, %dma_wait3A_18] : memref<1x120x1024xf32, #tpu.memory_space<vmem>> -> memref<1x120x1024xf32, #tpu.memory_space<vmem>>
    %dma_wait3A_20 = tpu.memref_squeeze %dma_wait3A_19 : memref<1x120x1024xf32, #tpu.memory_space<vmem>> -> memref<120x1024xf32, #tpu.memory_space<vmem>>
    %dma_wait3A_21 = arith.constant 0 : i32
    %dma_wait3A_22 = tpu.memref_slice %arg2[%add3A_4, %dma_wait3A_21] : memref<8192x1024xf32, #tpu.memory_space<hbm>> -> memref<120x1024xf32, #tpu.memory_space<hbm>>
    %dma_wait3A_23 = arith.constant 0 : i32
    %dma_wait3A_24 = arith.constant 0 : i32
    %dma_wait3A_25 = tpu.memref_slice %arg4[%dma_wait3A, %dma_wait3A_23, %dma_wait3A_24] : memref<1x120x1024xf32, #tpu.memory_space<vmem>> -> memref<1x120x1024xf32, #tpu.memory_space<vmem>>
    %dma_wait3A_26 = tpu.memref_squeeze %dma_wait3A_25 : memref<1x120x1024xf32, #tpu.memory_space<vmem>> -> memref<120x1024xf32, #tpu.memory_space<vmem>>
    %dma_wait3A_27 = arith.constant 0 : i32
    %dma_wait3A_28 = tpu.memref_slice %arg2[%add3A_4, %dma_wait3A_27] : memref<8192x1024xf32, #tpu.memory_space<hbm>> -> memref<120x1024xf32, #tpu.memory_space<hbm>>
    tpu.wait_dma2 semaphore(%arg5 : memref<!tpu.dma_semaphore, #tpu.memory_space<semaphore_mem>>) src(%dma_wait3A_28 : memref<120x1024xf32, #tpu.memory_space<hbm>>) dst(%dma_wait3A_26 : memref<120x1024xf32, #tpu.memory_space<vmem>>)
    %add3A_29 = arith.constant 0 : i32
    %add3A_30 = arith.addi %mul3A_2, %add3A_29 : i32
    %dma_start3A_31 = arith.constant 0 : i32
    %dma_start3A_32 = arith.constant 0 : i32
    %dma_start3A_33 = arith.constant 0 : i32
    %dma_start3A_34 = arith.constant 0 : i32
    %dma_start3A_35 = tpu.memref_slice %arg4[%dma_start3A_31, %dma_start3A_33, %dma_start3A_34] : memref<1x120x1024xf32, #tpu.memory_space<vmem>> -> memref<1x120x1024xf32, #tpu.memory_space<vmem>>
    %dma_start3A_36 = tpu.memref_squeeze %dma_start3A_35 : memref<1x120x1024xf32, #tpu.memory_space<vmem>> -> memref<120x1024xf32, #tpu.memory_space<vmem>>
    %dma_start3A_37 = arith.constant 0 : i32
    %dma_start3A_38 = tpu.memref_slice %arg3[%add3A_30, %dma_start3A_32, %dma_start3A_37] : memref<8192x4x1024xf32, #tpu.memory_space<hbm>> -> memref<120x1x1024xf32, #tpu.memory_space<hbm>>
    %dma_start3A_39 = tpu.memref_squeeze %dma_start3A_38 : memref<120x1x1024xf32, #tpu.memory_space<hbm>> -> memref<120x1024xf32, #tpu.memory_space<hbm>>
    %dma_start3A_40 = arith.constant 0 : i32
    %dma_start3A_41 = tpu.memref_slice %arg3[%add3A_30, %dma_start3A_32, %dma_start3A_40] : memref<8192x4x1024xf32, #tpu.memory_space<hbm>> -> memref<120x1x1024xf32, #tpu.memory_space<hbm>>
    %dma_start3A_42 = tpu.memref_squeeze %dma_start3A_41 : memref<120x1x1024xf32, #tpu.memory_space<hbm>> -> memref<120x1024xf32, #tpu.memory_space<hbm>>
    %dma_start3A_43 = arith.constant 0 : i32
    %dma_start3A_44 = arith.constant 0 : i32
    %dma_start3A_45 = tpu.memref_slice %arg4[%dma_start3A_31, %dma_start3A_43, %dma_start3A_44] : memref<1x120x1024xf32, #tpu.memory_space<vmem>> -> memref<1x120x1024xf32, #tpu.memory_space<vmem>>
    %dma_start3A_46 = tpu.memref_squeeze %dma_start3A_45 : memref<1x120x1024xf32, #tpu.memory_space<vmem>> -> memref<120x1024xf32, #tpu.memory_space<vmem>>
    tpu.enqueue_dma source(%dma_start3A_46 : memref<120x1024xf32, #tpu.memory_space<vmem>>) target(%dma_start3A_42 : memref<120x1024xf32, #tpu.memory_space<hbm>>) target_semaphore(%arg6 : memref<!tpu.dma_semaphore, #tpu.memory_space<semaphore_mem>>)
    %add3A_47 = arith.constant 0 : i32
    %add3A_48 = arith.addi %mul3A_2, %add3A_47 : i32
    %dma_start3A_49 = arith.constant 0 : i32
    %dma_start3A_50 = arith.constant 1 : i32
    %dma_start3A_51 = arith.constant 0 : i32
    %dma_start3A_52 = arith.constant 0 : i32
    %dma_start3A_53 = tpu.memref_slice %arg4[%dma_start3A_49, %dma_start3A_51, %dma_start3A_52] : memref<1x120x1024xf32, #tpu.memory_space<vmem>> -> memref<1x120x1024xf32, #tpu.memory_space<vmem>>
    %dma_start3A_54 = tpu.memref_squeeze %dma_start3A_53 : memref<1x120x1024xf32, #tpu.memory_space<vmem>> -> memref<120x1024xf32, #tpu.memory_space<vmem>>
    %dma_start3A_55 = arith.constant 0 : i32
    %dma_start3A_56 = tpu.memref_slice %arg3[%add3A_48, %dma_start3A_50, %dma_start3A_55] : memref<8192x4x1024xf32, #tpu.memory_space<hbm>> -> memref<120x1x1024xf32, #tpu.memory_space<hbm>>
    %dma_start3A_57 = tpu.memref_squeeze %dma_start3A_56 : memref<120x1x1024xf32, #tpu.memory_space<hbm>> -> memref<120x1024xf32, #tpu.memory_space<hbm>>
    %dma_start3A_58 = arith.constant 0 : i32
    %dma_start3A_59 = tpu.memref_slice %arg3[%add3A_48, %dma_start3A_50, %dma_start3A_58] : memref<8192x4x1024xf32, #tpu.memory_space<hbm>> -> memref<120x1x1024xf32, #tpu.memory_space<hbm>>
    %dma_start3A_60 = tpu.memref_squeeze %dma_start3A_59 : memref<120x1x1024xf32, #tpu.memory_space<hbm>> -> memref<120x1024xf32, #tpu.memory_space<hbm>>
    %dma_start3A_61 = arith.constant 0 : i32
    %dma_start3A_62 = arith.constant 0 : i32
    %dma_start3A_63 = tpu.memref_slice %arg4[%dma_start3A_49, %dma_start3A_61, %dma_start3A_62] : memref<1x120x1024xf32, #tpu.memory_space<vmem>> -> memref<1x120x1024xf32, #tpu.memory_space<vmem>>
    %dma_start3A_64 = tpu.memref_squeeze %dma_start3A_63 : memref<1x120x1024xf32, #tpu.memory_space<vmem>> -> memref<120x1024xf32, #tpu.memory_space<vmem>>
    tpu.enqueue_dma source(%dma_start3A_64 : memref<120x1024xf32, #tpu.memory_space<vmem>>) target(%dma_start3A_60 : memref<120x1024xf32, #tpu.memory_space<hbm>>) target_semaphore(%arg6 : memref<!tpu.dma_semaphore, #tpu.memory_space<semaphore_mem>>)
    %add3A_65 = arith.constant 0 : i32
    %add3A_66 = arith.addi %mul3A_2, %add3A_65 : i32
    %dma_start3A_67 = arith.constant 0 : i32
    %dma_start3A_68 = arith.constant 2 : i32
    %dma_start3A_69 = arith.constant 0 : i32
    %dma_start3A_70 = arith.constant 0 : i32
    %dma_start3A_71 = tpu.memref_slice %arg4[%dma_start3A_67, %dma_start3A_69, %dma_start3A_70] : memref<1x120x1024xf32, #tpu.memory_space<vmem>> -> memref<1x120x1024xf32, #tpu.memory_space<vmem>>
    %dma_start3A_72 = tpu.memref_squeeze %dma_start3A_71 : memref<1x120x1024xf32, #tpu.memory_space<vmem>> -> memref<120x1024xf32, #tpu.memory_space<vmem>>
    %dma_start3A_73 = arith.constant 0 : i32
    %dma_start3A_74 = tpu.memref_slice %arg3[%add3A_66, %dma_start3A_68, %dma_start3A_73] : memref<8192x4x1024xf32, #tpu.memory_space<hbm>> -> memref<120x1x1024xf32, #tpu.memory_space<hbm>>
    %dma_start3A_75 = tpu.memref_squeeze %dma_start3A_74 : memref<120x1x1024xf32, #tpu.memory_space<hbm>> -> memref<120x1024xf32, #tpu.memory_space<hbm>>
    %dma_start3A_76 = arith.constant 0 : i32
    %dma_start3A_77 = tpu.memref_slice %arg3[%add3A_66, %dma_start3A_68, %dma_start3A_76] : memref<8192x4x1024xf32, #tpu.memory_space<hbm>> -> memref<120x1x1024xf32, #tpu.memory_space<hbm>>
    %dma_start3A_78 = tpu.memref_squeeze %dma_start3A_77 : memref<120x1x1024xf32, #tpu.memory_space<hbm>> -> memref<120x1024xf32, #tpu.memory_space<hbm>>
    %dma_start3A_79 = arith.constant 0 : i32
    %dma_start3A_80 = arith.constant 0 : i32
    %dma_start3A_81 = tpu.memref_slice %arg4[%dma_start3A_67, %dma_start3A_79, %dma_start3A_80] : memref<1x120x1024xf32, #tpu.memory_space<vmem>> -> memref<1x120x1024xf32, #tpu.memory_space<vmem>>
    %dma_start3A_82 = tpu.memref_squeeze %dma_start3A_81 : memref<1x120x1024xf32, #tpu.memory_space<vmem>> -> memref<120x1024xf32, #tpu.memory_space<vmem>>
    tpu.enqueue_dma source(%dma_start3A_82 : memref<120x1024xf32, #tpu.memory_space<vmem>>) target(%dma_start3A_78 : memref<120x1024xf32, #tpu.memory_space<hbm>>) target_semaphore(%arg6 : memref<!tpu.dma_semaphore, #tpu.memory_space<semaphore_mem>>)
    %add3A_83 = arith.constant 0 : i32
    %add3A_84 = arith.addi %mul3A_2, %add3A_83 : i32
    %dma_start3A_85 = arith.constant 0 : i32
    %dma_start3A_86 = arith.constant 3 : i32
    %dma_start3A_87 = arith.constant 0 : i32
    %dma_start3A_88 = arith.constant 0 : i32
    %dma_start3A_89 = tpu.memref_slice %arg4[%dma_start3A_85, %dma_start3A_87, %dma_start3A_88] : memref<1x120x1024xf32, #tpu.memory_space<vmem>> -> memref<1x120x1024xf32, #tpu.memory_space<vmem>>
    %dma_start3A_90 = tpu.memref_squeeze %dma_start3A_89 : memref<1x120x1024xf32, #tpu.memory_space<vmem>> -> memref<120x1024xf32, #tpu.memory_space<vmem>>
    %dma_start3A_91 = arith.constant 0 : i32
    %dma_start3A_92 = tpu.memref_slice %arg3[%add3A_84, %dma_start3A_86, %dma_start3A_91] : memref<8192x4x1024xf32, #tpu.memory_space<hbm>> -> memref<120x1x1024xf32, #tpu.memory_space<hbm>>
    %dma_start3A_93 = tpu.memref_squeeze %dma_start3A_92 : memref<120x1x1024xf32, #tpu.memory_space<hbm>> -> memref<120x1024xf32, #tpu.memory_space<hbm>>
    %dma_start3A_94 = arith.constant 0 : i32
    %dma_start3A_95 = tpu.memref_slice %arg3[%add3A_84, %dma_start3A_86, %dma_start3A_94] : memref<8192x4x1024xf32, #tpu.memory_space<hbm>> -> memref<120x1x1024xf32, #tpu.memory_space<hbm>>
    %dma_start3A_96 = tpu.memref_squeeze %dma_start3A_95 : memref<120x1x1024xf32, #tpu.memory_space<hbm>> -> memref<120x1024xf32, #tpu.memory_space<hbm>>
    %dma_start3A_97 = arith.constant 0 : i32
    %dma_start3A_98 = arith.constant 0 : i32
    %dma_start3A_99 = tpu.memref_slice %arg4[%dma_start3A_85, %dma_start3A_97, %dma_start3A_98] : memref<1x120x1024xf32, #tpu.memory_space<vmem>> -> memref<1x120x1024xf32, #tpu.memory_space<vmem>>
    %dma_start3A_100 = tpu.memref_squeeze %dma_start3A_99 : memref<1x120x1024xf32, #tpu.memory_space<vmem>> -> memref<120x1024xf32, #tpu.memory_space<vmem>>
    tpu.enqueue_dma source(%dma_start3A_100 : memref<120x1024xf32, #tpu.memory_space<vmem>>) target(%dma_start3A_96 : memref<120x1024xf32, #tpu.memory_space<hbm>>) target_semaphore(%arg6 : memref<!tpu.dma_semaphore, #tpu.memory_space<semaphore_mem>>)
    %dma_wait3A_101 = arith.constant 0 : i32
    %dma_wait3A_102 = arith.constant 0 : i32
    %dma_wait3A_103 = arith.constant 0 : i32
    %dma_wait3A_104 = arith.constant 0 : i32
    %dma_wait3A_105 = tpu.memref_slice %arg4[%dma_wait3A_101, %dma_wait3A_103, %dma_wait3A_104] : memref<1x120x1024xf32, #tpu.memory_space<vmem>> -> memref<1x120x1024xf32, #tpu.memory_space<vmem>>
    %dma_wait3A_106 = tpu.memref_squeeze %dma_wait3A_105 : memref<1x120x1024xf32, #tpu.memory_space<vmem>> -> memref<120x1024xf32, #tpu.memory_space<vmem>>
    %dma_wait3A_107 = arith.constant 0 : i32
    %dma_wait3A_108 = tpu.memref_slice %arg3[%add3A_30, %dma_wait3A_102, %dma_wait3A_107] : memref<8192x4x1024xf32, #tpu.memory_space<hbm>> -> memref<120x1x1024xf32, #tpu.memory_space<hbm>>
    %dma_wait3A_109 = tpu.memref_squeeze %dma_wait3A_108 : memref<120x1x1024xf32, #tpu.memory_space<hbm>> -> memref<120x1024xf32, #tpu.memory_space<hbm>>
    %dma_wait3A_110 = arith.constant 0 : i32
    %dma_wait3A_111 = tpu.memref_slice %arg3[%add3A_30, %dma_wait3A_102, %dma_wait3A_110] : memref<8192x4x1024xf32, #tpu.memory_space<hbm>> -> memref<120x1x1024xf32, #tpu.memory_space<hbm>>
    %dma_wait3A_112 = tpu.memref_squeeze %dma_wait3A_111 : memref<120x1x1024xf32, #tpu.memory_space<hbm>> -> memref<120x1024xf32, #tpu.memory_space<hbm>>
    %dma_wait3A_113 = arith.constant 0 : i32
    %dma_wait3A_114 = arith.constant 0 : i32
    %dma_wait3A_115 = tpu.memref_slice %arg4[%dma_wait3A_101, %dma_wait3A_113, %dma_wait3A_114] : memref<1x120x1024xf32, #tpu.memory_space<vmem>> -> memref<1x120x1024xf32, #tpu.memory_space<vmem>>
    %dma_wait3A_116 = tpu.memref_squeeze %dma_wait3A_115 : memref<1x120x1024xf32, #tpu.memory_space<vmem>> -> memref<120x1024xf32, #tpu.memory_space<vmem>>
    tpu.wait_dma2 semaphore(%arg6 : memref<!tpu.dma_semaphore, #tpu.memory_space<semaphore_mem>>) src(%dma_wait3A_116 : memref<120x1024xf32, #tpu.memory_space<vmem>>) dst(%dma_wait3A_112 : memref<120x1024xf32, #tpu.memory_space<hbm>>)
    %dma_wait3A_117 = arith.constant 0 : i32
    %dma_wait3A_118 = arith.constant 1 : i32
    %dma_wait3A_119 = arith.constant 0 : i32
    %dma_wait3A_120 = arith.constant 0 : i32
    %dma_wait3A_121 = tpu.memref_slice %arg4[%dma_wait3A_117, %dma_wait3A_119, %dma_wait3A_120] : memref<1x120x1024xf32, #tpu.memory_space<vmem>> -> memref<1x120x1024xf32, #tpu.memory_space<vmem>>
    %dma_wait3A_122 = tpu.memref_squeeze %dma_wait3A_121 : memref<1x120x1024xf32, #tpu.memory_space<vmem>> -> memref<120x1024xf32, #tpu.memory_space<vmem>>
    %dma_wait3A_123 = arith.constant 0 : i32
    %dma_wait3A_124 = tpu.memref_slice %arg3[%add3A_48, %dma_wait3A_118, %dma_wait3A_123] : memref<8192x4x1024xf32, #tpu.memory_space<hbm>> -> memref<120x1x1024xf32, #tpu.memory_space<hbm>>
    %dma_wait3A_125 = tpu.memref_squeeze %dma_wait3A_124 : memref<120x1x1024xf32, #tpu.memory_space<hbm>> -> memref<120x1024xf32, #tpu.memory_space<hbm>>
    %dma_wait3A_126 = arith.constant 0 : i32
    %dma_wait3A_127 = tpu.memref_slice %arg3[%add3A_48, %dma_wait3A_118, %dma_wait3A_126] : memref<8192x4x1024xf32, #tpu.memory_space<hbm>> -> memref<120x1x1024xf32, #tpu.memory_space<hbm>>
    %dma_wait3A_128 = tpu.memref_squeeze %dma_wait3A_127 : memref<120x1x1024xf32, #tpu.memory_space<hbm>> -> memref<120x1024xf32, #tpu.memory_space<hbm>>
    %dma_wait3A_129 = arith.constant 0 : i32
    %dma_wait3A_130 = arith.constant 0 : i32
    %dma_wait3A_131 = tpu.memref_slice %arg4[%dma_wait3A_117, %dma_wait3A_129, %dma_wait3A_130] : memref<1x120x1024xf32, #tpu.memory_space<vmem>> -> memref<1x120x1024xf32, #tpu.memory_space<vmem>>
    %dma_wait3A_132 = tpu.memref_squeeze %dma_wait3A_131 : memref<1x120x1024xf32, #tpu.memory_space<vmem>> -> memref<120x1024xf32, #tpu.memory_space<vmem>>
    tpu.wait_dma2 semaphore(%arg6 : memref<!tpu.dma_semaphore, #tpu.memory_space<semaphore_mem>>) src(%dma_wait3A_132 : memref<120x1024xf32, #tpu.memory_space<vmem>>) dst(%dma_wait3A_128 : memref<120x1024xf32, #tpu.memory_space<hbm>>)
    %dma_wait3A_133 = arith.constant 0 : i32
    %dma_wait3A_134 = arith.constant 2 : i32
    %dma_wait3A_135 = arith.constant 0 : i32
    %dma_wait3A_136 = arith.constant 0 : i32
    %dma_wait3A_137 = tpu.memref_slice %arg4[%dma_wait3A_133, %dma_wait3A_135, %dma_wait3A_136] : memref<1x120x1024xf32, #tpu.memory_space<vmem>> -> memref<1x120x1024xf32, #tpu.memory_space<vmem>>
    %dma_wait3A_138 = tpu.memref_squeeze %dma_wait3A_137 : memref<1x120x1024xf32, #tpu.memory_space<vmem>> -> memref<120x1024xf32, #tpu.memory_space<vmem>>
    %dma_wait3A_139 = arith.constant 0 : i32
    %dma_wait3A_140 = tpu.memref_slice %arg3[%add3A_66, %dma_wait3A_134, %dma_wait3A_139] : memref<8192x4x1024xf32, #tpu.memory_space<hbm>> -> memref<120x1x1024xf32, #tpu.memory_space<hbm>>
    %dma_wait3A_141 = tpu.memref_squeeze %dma_wait3A_140 : memref<120x1x1024xf32, #tpu.memory_space<hbm>> -> memref<120x1024xf32, #tpu.memory_space<hbm>>
    %dma_wait3A_142 = arith.constant 0 : i32
    %dma_wait3A_143 = tpu.memref_slice %arg3[%add3A_66, %dma_wait3A_134, %dma_wait3A_142] : memref<8192x4x1024xf32, #tpu.memory_space<hbm>> -> memref<120x1x1024xf32, #tpu.memory_space<hbm>>
    %dma_wait3A_144 = tpu.memref_squeeze %dma_wait3A_143 : memref<120x1x1024xf32, #tpu.memory_space<hbm>> -> memref<120x1024xf32, #tpu.memory_space<hbm>>
    %dma_wait3A_145 = arith.constant 0 : i32
    %dma_wait3A_146 = arith.constant 0 : i32
    %dma_wait3A_147 = tpu.memref_slice %arg4[%dma_wait3A_133, %dma_wait3A_145, %dma_wait3A_146] : memref<1x120x1024xf32, #tpu.memory_space<vmem>> -> memref<1x120x1024xf32, #tpu.memory_space<vmem>>
    %dma_wait3A_148 = tpu.memref_squeeze %dma_wait3A_147 : memref<1x120x1024xf32, #tpu.memory_space<vmem>> -> memref<120x1024xf32, #tpu.memory_space<vmem>>
    tpu.wait_dma2 semaphore(%arg6 : memref<!tpu.dma_semaphore, #tpu.memory_space<semaphore_mem>>) src(%dma_wait3A_148 : memref<120x1024xf32, #tpu.memory_space<vmem>>) dst(%dma_wait3A_144 : memref<120x1024xf32, #tpu.memory_space<hbm>>)
    %dma_wait3A_149 = arith.constant 0 : i32
    %dma_wait3A_150 = arith.constant 3 : i32
    %dma_wait3A_151 = arith.constant 0 : i32
    %dma_wait3A_152 = arith.constant 0 : i32
    %dma_wait3A_153 = tpu.memref_slice %arg4[%dma_wait3A_149, %dma_wait3A_151, %dma_wait3A_152] : memref<1x120x1024xf32, #tpu.memory_space<vmem>> -> memref<1x120x1024xf32, #tpu.memory_space<vmem>>
    %dma_wait3A_154 = tpu.memref_squeeze %dma_wait3A_153 : memref<1x120x1024xf32, #tpu.memory_space<vmem>> -> memref<120x1024xf32, #tpu.memory_space<vmem>>
    %dma_wait3A_155 = arith.constant 0 : i32
    %dma_wait3A_156 = tpu.memref_slice %arg3[%add3A_84, %dma_wait3A_150, %dma_wait3A_155] : memref<8192x4x1024xf32, #tpu.memory_space<hbm>> -> memref<120x1x1024xf32, #tpu.memory_space<hbm>>
    %dma_wait3A_157 = tpu.memref_squeeze %dma_wait3A_156 : memref<120x1x1024xf32, #tpu.memory_space<hbm>> -> memref<120x1024xf32, #tpu.memory_space<hbm>>
    %dma_wait3A_158 = arith.constant 0 : i32
    %dma_wait3A_159 = tpu.memref_slice %arg3[%add3A_84, %dma_wait3A_150, %dma_wait3A_158] : memref<8192x4x1024xf32, #tpu.memory_space<hbm>> -> memref<120x1x1024xf32, #tpu.memory_space<hbm>>
    %dma_wait3A_160 = tpu.memref_squeeze %dma_wait3A_159 : memref<120x1x1024xf32, #tpu.memory_space<hbm>> -> memref<120x1024xf32, #tpu.memory_space<hbm>>
    %dma_wait3A_161 = arith.constant 0 : i32
    %dma_wait3A_162 = arith.constant 0 : i32
    %dma_wait3A_163 = tpu.memref_slice %arg4[%dma_wait3A_149, %dma_wait3A_161, %dma_wait3A_162] : memref<1x120x1024xf32, #tpu.memory_space<vmem>> -> memref<1x120x1024xf32, #tpu.memory_space<vmem>>
    %dma_wait3A_164 = tpu.memref_squeeze %dma_wait3A_163 : memref<1x120x1024xf32, #tpu.memory_space<vmem>> -> memref<120x1024xf32, #tpu.memory_space<vmem>>
    tpu.wait_dma2 semaphore(%arg6 : memref<!tpu.dma_semaphore, #tpu.memory_space<semaphore_mem>>) src(%dma_wait3A_164 : memref<120x1024xf32, #tpu.memory_space<vmem>>) dst(%dma_wait3A_160 : memref<120x1024xf32, #tpu.memory_space<hbm>>)
    %add3A_165 = arith.constant 120 : i32
    %add3A_166 = arith.addi %mul3A_2, %add3A_165 : i32
    %dma_start3A_167 = arith.constant 0 : i32
    %dma_start3A_168 = arith.constant 0 : i32
    %dma_start3A_169 = arith.constant 0 : i32
    %dma_start3A_170 = tpu.memref_slice %arg4[%dma_start3A_167, %dma_start3A_168, %dma_start3A_169] : memref<1x120x1024xf32, #tpu.memory_space<vmem>> -> memref<1x120x1024xf32, #tpu.memory_space<vmem>>
    %dma_start3A_171 = tpu.memref_squeeze %dma_start3A_170 : memref<1x120x1024xf32, #tpu.memory_space<vmem>> -> memref<120x1024xf32, #tpu.memory_space<vmem>>
    %dma_start3A_172 = arith.constant 0 : i32
    %dma_start3A_173 = tpu.memref_slice %arg2[%add3A_166, %dma_start3A_172] : memref<8192x1024xf32, #tpu.memory_space<hbm>> -> memref<120x1024xf32, #tpu.memory_space<hbm>>
    %dma_start3A_174 = arith.constant 0 : i32
    %dma_start3A_175 = arith.constant 0 : i32
    %dma_start3A_176 = tpu.memref_slice %arg4[%dma_start3A_167, %dma_start3A_174, %dma_start3A_175] : memref<1x120x1024xf32, #tpu.memory_space<vmem>> -> memref<1x120x1024xf32, #tpu.memory_space<vmem>>
    %dma_start3A_177 = tpu.memref_squeeze %dma_start3A_176 : memref<1x120x1024xf32, #tpu.memory_space<vmem>> -> memref<120x1024xf32, #tpu.memory_space<vmem>>
    %dma_start3A_178 = arith.constant 0 : i32
    %dma_start3A_179 = tpu.memref_slice %arg2[%add3A_166, %dma_start3A_178] : memref<8192x1024xf32, #tpu.memory_space<hbm>> -> memref<120x1024xf32, #tpu.memory_space<hbm>>
    tpu.enqueue_dma source(%dma_start3A_179 : memref<120x1024xf32, #tpu.memory_space<hbm>>) target(%dma_start3A_177 : memref<120x1024xf32, #tpu.memory_space<vmem>>) target_semaphore(%arg5 : memref<!tpu.dma_semaphore, #tpu.memory_space<semaphore_mem>>)
    %dma_wait3A_180 = arith.constant 0 : i32
    %dma_wait3A_181 = arith.constant 0 : i32
    %dma_wait3A_182 = arith.constant 0 : i32
    %dma_wait3A_183 = tpu.memref_slice %arg4[%dma_wait3A_180, %dma_wait3A_181, %dma_wait3A_182] : memref<1x120x1024xf32, #tpu.memory_space<vmem>> -> memref<1x120x1024xf32, #tpu.memory_space<vmem>>
    %dma_wait3A_184 = tpu.memref_squeeze %dma_wait3A_183 : memref<1x120x1024xf32, #tpu.memory_space<vmem>> -> memref<120x1024xf32, #tpu.memory_space<vmem>>
    %dma_wait3A_185 = arith.constant 0 : i32
    %dma_wait3A_186 = tpu.memref_slice %arg2[%add3A_166, %dma_wait3A_185] : memref<8192x1024xf32, #tpu.memory_space<hbm>> -> memref<120x1024xf32, #tpu.memory_space<hbm>>
    %dma_wait3A_187 = arith.constant 0 : i32
    %dma_wait3A_188 = arith.constant 0 : i32
    %dma_wait3A_189 = tpu.memref_slice %arg4[%dma_wait3A_180, %dma_wait3A_187, %dma_wait3A_188] : memref<1x120x1024xf32, #tpu.memory_space<vmem>> -> memref<1x120x1024xf32, #tpu.memory_space<vmem>>
    %dma_wait3A_190 = tpu.memref_squeeze %dma_wait3A_189 : memref<1x120x1024xf32, #tpu.memory_space<vmem>> -> memref<120x1024xf32, #tpu.memory_space<vmem>>
    %dma_wait3A_191 = arith.constant 0 : i32
    %dma_wait3A_192 = tpu.memref_slice %arg2[%add3A_166, %dma_wait3A_191] : memref<8192x1024xf32, #tpu.memory_space<hbm>> -> memref<120x1024xf32, #tpu.memory_space<hbm>>
    tpu.wait_dma2 semaphore(%arg5 : memref<!tpu.dma_semaphore, #tpu.memory_space<semaphore_mem>>) src(%dma_wait3A_192 : memref<120x1024xf32, #tpu.memory_space<hbm>>) dst(%dma_wait3A_190 : memref<120x1024xf32, #tpu.memory_space<vmem>>)
    %add3A_193 = arith.constant 120 : i32
    %add3A_194 = arith.addi %mul3A_2, %add3A_193 : i32
    %dma_start3A_195 = arith.constant 0 : i32
    %dma_start3A_196 = arith.constant 0 : i32
    %dma_start3A_197 = arith.constant 0 : i32
    %dma_start3A_198 = arith.constant 0 : i32
    %dma_start3A_199 = tpu.memref_slice %arg4[%dma_start3A_195, %dma_start3A_197, %dma_start3A_198] : memref<1x120x1024xf32, #tpu.memory_space<vmem>> -> memref<1x120x1024xf32, #tpu.memory_space<vmem>>
    %dma_start3A_200 = tpu.memref_squeeze %dma_start3A_199 : memref<1x120x1024xf32, #tpu.memory_space<vmem>> -> memref<120x1024xf32, #tpu.memory_space<vmem>>
    %dma_start3A_201 = arith.constant 0 : i32
    %dma_start3A_202 = tpu.memref_slice %arg3[%add3A_194, %dma_start3A_196, %dma_start3A_201] : memref<8192x4x1024xf32, #tpu.memory_space<hbm>> -> memref<120x1x1024xf32, #tpu.memory_space<hbm>>
    %dma_start3A_203 = tpu.memref_squeeze %dma_start3A_202 : memref<120x1x1024xf32, #tpu.memory_space<hbm>> -> memref<120x1024xf32, #tpu.memory_space<hbm>>
    %dma_start3A_204 = arith.constant 0 : i32
    %dma_start3A_205 = tpu.memref_slice %arg3[%add3A_194, %dma_start3A_196, %dma_start3A_204] : memref<8192x4x1024xf32, #tpu.memory_space<hbm>> -> memref<120x1x1024xf32, #tpu.memory_space<hbm>>
    %dma_start3A_206 = tpu.memref_squeeze %dma_start3A_205 : memref<120x1x1024xf32, #tpu.memory_space<hbm>> -> memref<120x1024xf32, #tpu.memory_space<hbm>>
    %dma_start3A_207 = arith.constant 0 : i32
    %dma_start3A_208 = arith.constant 0 : i32
    %dma_start3A_209 = tpu.memref_slice %arg4[%dma_start3A_195, %dma_start3A_207, %dma_start3A_208] : memref<1x120x1024xf32, #tpu.memory_space<vmem>> -> memref<1x120x1024xf32, #tpu.memory_space<vmem>>
    %dma_start3A_210 = tpu.memref_squeeze %dma_start3A_209 : memref<1x120x1024xf32, #tpu.memory_space<vmem>> -> memref<120x1024xf32, #tpu.memory_space<vmem>>
    tpu.enqueue_dma source(%dma_start3A_210 : memref<120x1024xf32, #tpu.memory_space<vmem>>) target(%dma_start3A_206 : memref<120x1024xf32, #tpu.memory_space<hbm>>) target_semaphore(%arg6 : memref<!tpu.dma_semaphore, #tpu.memory_space<semaphore_mem>>)
    %add3A_211 = arith.constant 120 : i32
    %add3A_212 = arith.addi %mul3A_2, %add3A_211 : i32
    %dma_start3A_213 = arith.constant 0 : i32
    %dma_start3A_214 = arith.constant 1 : i32
    %dma_start3A_215 = arith.constant 0 : i32
    %dma_start3A_216 = arith.constant 0 : i32
    %dma_start3A_217 = tpu.memref_slice %arg4[%dma_start3A_213, %dma_start3A_215, %dma_start3A_216] : memref<1x120x1024xf32, #tpu.memory_space<vmem>> -> memref<1x120x1024xf32, #tpu.memory_space<vmem>>
    %dma_start3A_218 = tpu.memref_squeeze %dma_start3A_217 : memref<1x120x1024xf32, #tpu.memory_space<vmem>> -> memref<120x1024xf32, #tpu.memory_space<vmem>>
    %dma_start3A_219 = arith.constant 0 : i32
    %dma_start3A_220 = tpu.memref_slice %arg3[%add3A_212, %dma_start3A_214, %dma_start3A_219] : memref<8192x4x1024xf32, #tpu.memory_space<hbm>> -> memref<120x1x1024xf32, #tpu.memory_space<hbm>>
    %dma_start3A_221 = tpu.memref_squeeze %dma_start3A_220 : memref<120x1x1024xf32, #tpu.memory_space<hbm>> -> memref<120x1024xf32, #tpu.memory_space<hbm>>
    %dma_start3A_222 = arith.constant 0 : i32
    %dma_start3A_223 = tpu.memref_slice %arg3[%add3A_212, %dma_start3A_214, %dma_start3A_222] : memref<8192x4x1024xf32, #tpu.memory_space<hbm>> -> memref<120x1x1024xf32, #tpu.memory_space<hbm>>
    %dma_start3A_224 = tpu.memref_squeeze %dma_start3A_223 : memref<120x1x1024xf32, #tpu.memory_space<hbm>> -> memref<120x1024xf32, #tpu.memory_space<hbm>>
    %dma_start3A_225 = arith.constant 0 : i32
    %dma_start3A_226 = arith.constant 0 : i32
    %dma_start3A_227 = tpu.memref_slice %arg4[%dma_start3A_213, %dma_start3A_225, %dma_start3A_226] : memref<1x120x1024xf32, #tpu.memory_space<vmem>> -> memref<1x120x1024xf32, #tpu.memory_space<vmem>>
    %dma_start3A_228 = tpu.memref_squeeze %dma_start3A_227 : memref<1x120x1024xf32, #tpu.memory_space<vmem>> -> memref<120x1024xf32, #tpu.memory_space<vmem>>
    tpu.enqueue_dma source(%dma_start3A_228 : memref<120x1024xf32, #tpu.memory_space<vmem>>) target(%dma_start3A_224 : memref<120x1024xf32, #tpu.memory_space<hbm>>) target_semaphore(%arg6 : memref<!tpu.dma_semaphore, #tpu.memory_space<semaphore_mem>>)
    %add3A_229 = arith.constant 120 : i32
    %add3A_230 = arith.addi %mul3A_2, %add3A_229 : i32
    %dma_start3A_231 = arith.constant 0 : i32
    %dma_start3A_232 = arith.constant 2 : i32
    %dma_start3A_233 = arith.constant 0 : i32
    %dma_start3A_234 = arith.constant 0 : i32
    %dma_start3A_235 = tpu.memref_slice %arg4[%dma_start3A_231, %dma_start3A_233, %dma_start3A_234] : memref<1x120x1024xf32, #tpu.memory_space<vmem>> -> memref<1x120x1024xf32, #tpu.memory_space<vmem>>
    %dma_start3A_236 = tpu.memref_squeeze %dma_start3A_235 : memref<1x120x1024xf32, #tpu.memory_space<vmem>> -> memref<120x1024xf32, #tpu.memory_space<vmem>>
    %dma_start3A_237 = arith.constant 0 : i32
    %dma_start3A_238 = tpu.memref_slice %arg3[%add3A_230, %dma_start3A_232, %dma_start3A_237] : memref<8192x4x1024xf32, #tpu.memory_space<hbm>> -> memref<120x1x1024xf32, #tpu.memory_space<hbm>>
    %dma_start3A_239 = tpu.memref_squeeze %dma_start3A_238 : memref<120x1x1024xf32, #tpu.memory_space<hbm>> -> memref<120x1024xf32, #tpu.memory_space<hbm>>
    %dma_start3A_240 = arith.constant 0 : i32
    %dma_start3A_241 = tpu.memref_slice %arg3[%add3A_230, %dma_start3A_232, %dma_start3A_240] : memref<8192x4x1024xf32, #tpu.memory_space<hbm>> -> memref<120x1x1024xf32, #tpu.memory_space<hbm>>
    %dma_start3A_242 = tpu.memref_squeeze %dma_start3A_241 : memref<120x1x1024xf32, #tpu.memory_space<hbm>> -> memref<120x1024xf32, #tpu.memory_space<hbm>>
    %dma_start3A_243 = arith.constant 0 : i32
    %dma_start3A_244 = arith.constant 0 : i32
    %dma_start3A_245 = tpu.memref_slice %arg4[%dma_start3A_231, %dma_start3A_243, %dma_start3A_244] : memref<1x120x1024xf32, #tpu.memory_space<vmem>> -> memref<1x120x1024xf32, #tpu.memory_space<vmem>>
    %dma_start3A_246 = tpu.memref_squeeze %dma_start3A_245 : memref<1x120x1024xf32, #tpu.memory_space<vmem>> -> memref<120x1024xf32, #tpu.memory_space<vmem>>
    tpu.enqueue_dma source(%dma_start3A_246 : memref<120x1024xf32, #tpu.memory_space<vmem>>) target(%dma_start3A_242 : memref<120x1024xf32, #tpu.memory_space<hbm>>) target_semaphore(%arg6 : memref<!tpu.dma_semaphore, #tpu.memory_space<semaphore_mem>>)
    %add3A_247 = arith.constant 120 : i32
    %add3A_248 = arith.addi %mul3A_2, %add3A_247 : i32
    %dma_start3A_249 = arith.constant 0 : i32
    %dma_start3A_250 = arith.constant 3 : i32
    %dma_start3A_251 = arith.constant 0 : i32
    %dma_start3A_252 = arith.constant 0 : i32
    %dma_start3A_253 = tpu.memref_slice %arg4[%dma_start3A_249, %dma_start3A_251, %dma_start3A_252] : memref<1x120x1024xf32, #tpu.memory_space<vmem>> -> memref<1x120x1024xf32, #tpu.memory_space<vmem>>
    %dma_start3A_254 = tpu.memref_squeeze %dma_start3A_253 : memref<1x120x1024xf32, #tpu.memory_space<vmem>> -> memref<120x1024xf32, #tpu.memory_space<vmem>>
    %dma_start3A_255 = arith.constant 0 : i32
    %dma_start3A_256 = tpu.memref_slice %arg3[%add3A_248, %dma_start3A_250, %dma_start3A_255] : memref<8192x4x1024xf32, #tpu.memory_space<hbm>> -> memref<120x1x1024xf32, #tpu.memory_space<hbm>>
    %dma_start3A_257 = tpu.memref_squeeze %dma_start3A_256 : memref<120x1x1024xf32, #tpu.memory_space<hbm>> -> memref<120x1024xf32, #tpu.memory_space<hbm>>
    %dma_start3A_258 = arith.constant 0 : i32
    %dma_start3A_259 = tpu.memref_slice %arg3[%add3A_248, %dma_start3A_250, %dma_start3A_258] : memref<8192x4x1024xf32, #tpu.memory_space<hbm>> -> memref<120x1x1024xf32, #tpu.memory_space<hbm>>
    %dma_start3A_260 = tpu.memref_squeeze %dma_start3A_259 : memref<120x1x1024xf32, #tpu.memory_space<hbm>> -> memref<120x1024xf32, #tpu.memory_space<hbm>>
    %dma_start3A_261 = arith.constant 0 : i32
    %dma_start3A_262 = arith.constant 0 : i32
    %dma_start3A_263 = tpu.memref_slice %arg4[%dma_start3A_249, %dma_start3A_261, %dma_start3A_262] : memref<1x120x1024xf32, #tpu.memory_space<vmem>> -> memref<1x120x1024xf32, #tpu.memory_space<vmem>>
    %dma_start3A_264 = tpu.memref_squeeze %dma_start3A_263 : memref<1x120x1024xf32, #tpu.memory_space<vmem>> -> memref<120x1024xf32, #tpu.memory_space<vmem>>
    tpu.enqueue_dma source(%dma_start3A_264 : memref<120x1024xf32, #tpu.memory_space<vmem>>) target(%dma_start3A_260 : memref<120x1024xf32, #tpu.memory_space<hbm>>) target_semaphore(%arg6 : memref<!tpu.dma_semaphore, #tpu.memory_space<semaphore_mem>>)
    %dma_wait3A_265 = arith.constant 0 : i32
    %dma_wait3A_266 = arith.constant 0 : i32
    %dma_wait3A_267 = arith.constant 0 : i32
    %dma_wait3A_268 = arith.constant 0 : i32
    %dma_wait3A_269 = tpu.memref_slice %arg4[%dma_wait3A_265, %dma_wait3A_267, %dma_wait3A_268] : memref<1x120x1024xf32, #tpu.memory_space<vmem>> -> memref<1x120x1024xf32, #tpu.memory_space<vmem>>
    %dma_wait3A_270 = tpu.memref_squeeze %dma_wait3A_269 : memref<1x120x1024xf32, #tpu.memory_space<vmem>> -> memref<120x1024xf32, #tpu.memory_space<vmem>>
    %dma_wait3A_271 = arith.constant 0 : i32
    %dma_wait3A_272 = tpu.memref_slice %arg3[%add3A_194, %dma_wait3A_266, %dma_wait3A_271] : memref<8192x4x1024xf32, #tpu.memory_space<hbm>> -> memref<120x1x1024xf32, #tpu.memory_space<hbm>>
    %dma_wait3A_273 = tpu.memref_squeeze %dma_wait3A_272 : memref<120x1x1024xf32, #tpu.memory_space<hbm>> -> memref<120x1024xf32, #tpu.memory_space<hbm>>
    %dma_wait3A_274 = arith.constant 0 : i32
    %dma_wait3A_275 = tpu.memref_slice %arg3[%add3A_194, %dma_wait3A_266, %dma_wait3A_274] : memref<8192x4x1024xf32, #tpu.memory_space<hbm>> -> memref<120x1x1024xf32, #tpu.memory_space<hbm>>
    %dma_wait3A_276 = tpu.memref_squeeze %dma_wait3A_275 : memref<120x1x1024xf32, #tpu.memory_space<hbm>> -> memref<120x1024xf32, #tpu.memory_space<hbm>>
    %dma_wait3A_277 = arith.constant 0 : i32
    %dma_wait3A_278 = arith.constant 0 : i32
    %dma_wait3A_279 = tpu.memref_slice %arg4[%dma_wait3A_265, %dma_wait3A_277, %dma_wait3A_278] : memref<1x120x1024xf32, #tpu.memory_space<vmem>> -> memref<1x120x1024xf32, #tpu.memory_space<vmem>>
    %dma_wait3A_280 = tpu.memref_squeeze %dma_wait3A_279 : memref<1x120x1024xf32, #tpu.memory_space<vmem>> -> memref<120x1024xf32, #tpu.memory_space<vmem>>
    tpu.wait_dma2 semaphore(%arg6 : memref<!tpu.dma_semaphore, #tpu.memory_space<semaphore_mem>>) src(%dma_wait3A_280 : memref<120x1024xf32, #tpu.memory_space<vmem>>) dst(%dma_wait3A_276 : memref<120x1024xf32, #tpu.memory_space<hbm>>)
    %dma_wait3A_281 = arith.constant 0 : i32
    %dma_wait3A_282 = arith.constant 1 : i32
    %dma_wait3A_283 = arith.constant 0 : i32
    %dma_wait3A_284 = arith.constant 0 : i32
    %dma_wait3A_285 = tpu.memref_slice %arg4[%dma_wait3A_281, %dma_wait3A_283, %dma_wait3A_284] : memref<1x120x1024xf32, #tpu.memory_space<vmem>> -> memref<1x120x1024xf32, #tpu.memory_space<vmem>>
    %dma_wait3A_286 = tpu.memref_squeeze %dma_wait3A_285 : memref<1x120x1024xf32, #tpu.memory_space<vmem>> -> memref<120x1024xf32, #tpu.memory_space<vmem>>
    %dma_wait3A_287 = arith.constant 0 : i32
    %dma_wait3A_288 = tpu.memref_slice %arg3[%add3A_212, %dma_wait3A_282, %dma_wait3A_287] : memref<8192x4x1024xf32, #tpu.memory_space<hbm>> -> memref<120x1x1024xf32, #tpu.memory_space<hbm>>
    %dma_wait3A_289 = tpu.memref_squeeze %dma_wait3A_288 : memref<120x1x1024xf32, #tpu.memory_space<hbm>> -> memref<120x1024xf32, #tpu.memory_space<hbm>>
    %dma_wait3A_290 = arith.constant 0 : i32
    %dma_wait3A_291 = tpu.memref_slice %arg3[%add3A_212, %dma_wait3A_282, %dma_wait3A_290] : memref<8192x4x1024xf32, #tpu.memory_space<hbm>> -> memref<120x1x1024xf32, #tpu.memory_space<hbm>>
    %dma_wait3A_292 = tpu.memref_squeeze %dma_wait3A_291 : memref<120x1x1024xf32, #tpu.memory_space<hbm>> -> memref<120x1024xf32, #tpu.memory_space<hbm>>
    %dma_wait3A_293 = arith.constant 0 : i32
    %dma_wait3A_294 = arith.constant 0 : i32
    %dma_wait3A_295 = tpu.memref_slice %arg4[%dma_wait3A_281, %dma_wait3A_293, %dma_wait3A_294] : memref<1x120x1024xf32, #tpu.memory_space<vmem>> -> memref<1x120x1024xf32, #tpu.memory_space<vmem>>
    %dma_wait3A_296 = tpu.memref_squeeze %dma_wait3A_295 : memref<1x120x1024xf32, #tpu.memory_space<vmem>> -> memref<120x1024xf32, #tpu.memory_space<vmem>>
    tpu.wait_dma2 semaphore(%arg6 : memref<!tpu.dma_semaphore, #tpu.memory_space<semaphore_mem>>) src(%dma_wait3A_296 : memref<120x1024xf32, #tpu.memory_space<vmem>>) dst(%dma_wait3A_292 : memref<120x1024xf32, #tpu.memory_space<hbm>>)
    %dma_wait3A_297 = arith.constant 0 : i32
    %dma_wait3A_298 = arith.constant 2 : i32
    %dma_wait3A_299 = arith.constant 0 : i32
    %dma_wait3A_300 = arith.constant 0 : i32
    %dma_wait3A_301 = tpu.memref_slice %arg4[%dma_wait3A_297, %dma_wait3A_299, %dma_wait3A_300] : memref<1x120x1024xf32, #tpu.memory_space<vmem>> -> memref<1x120x1024xf32, #tpu.memory_space<vmem>>
    %dma_wait3A_302 = tpu.memref_squeeze %dma_wait3A_301 : memref<1x120x1024xf32, #tpu.memory_space<vmem>> -> memref<120x1024xf32, #tpu.memory_space<vmem>>
    %dma_wait3A_303 = arith.constant 0 : i32
    %dma_wait3A_304 = tpu.memref_slice %arg3[%add3A_230, %dma_wait3A_298, %dma_wait3A_303] : memref<8192x4x1024xf32, #tpu.memory_space<hbm>> -> memref<120x1x1024xf32, #tpu.memory_space<hbm>>
    %dma_wait3A_305 = tpu.memref_squeeze %dma_wait3A_304 : memref<120x1x1024xf32, #tpu.memory_space<hbm>> -> memref<120x1024xf32, #tpu.memory_space<hbm>>
    %dma_wait3A_306 = arith.constant 0 : i32
    %dma_wait3A_307 = tpu.memref_slice %arg3[%add3A_230, %dma_wait3A_298, %dma_wait3A_306] : memref<8192x4x1024xf32, #tpu.memory_space<hbm>> -> memref<120x1x1024xf32, #tpu.memory_space<hbm>>
    %dma_wait3A_308 = tpu.memref_squeeze %dma_wait3A_307 : memref<120x1x1024xf32, #tpu.memory_space<hbm>> -> memref<120x1024xf32, #tpu.memory_space<hbm>>
    %dma_wait3A_309 = arith.constant 0 : i32
    %dma_wait3A_310 = arith.constant 0 : i32
    %dma_wait3A_311 = tpu.memref_slice %arg4[%dma_wait3A_297, %dma_wait3A_309, %dma_wait3A_310] : memref<1x120x1024xf32, #tpu.memory_space<vmem>> -> memref<1x120x1024xf32, #tpu.memory_space<vmem>>
    %dma_wait3A_312 = tpu.memref_squeeze %dma_wait3A_311 : memref<1x120x1024xf32, #tpu.memory_space<vmem>> -> memref<120x1024xf32, #tpu.memory_space<vmem>>
    tpu.wait_dma2 semaphore(%arg6 : memref<!tpu.dma_semaphore, #tpu.memory_space<semaphore_mem>>) src(%dma_wait3A_312 : memref<120x1024xf32, #tpu.memory_space<vmem>>) dst(%dma_wait3A_308 : memref<120x1024xf32, #tpu.memory_space<hbm>>)
    %dma_wait3A_313 = arith.constant 0 : i32
    %dma_wait3A_314 = arith.constant 3 : i32
    %dma_wait3A_315 = arith.constant 0 : i32
    %dma_wait3A_316 = arith.constant 0 : i32
    %dma_wait3A_317 = tpu.memref_slice %arg4[%dma_wait3A_313, %dma_wait3A_315, %dma_wait3A_316] : memref<1x120x1024xf32, #tpu.memory_space<vmem>> -> memref<1x120x1024xf32, #tpu.memory_space<vmem>>
    %dma_wait3A_318 = tpu.memref_squeeze %dma_wait3A_317 : memref<1x120x1024xf32, #tpu.memory_space<vmem>> -> memref<120x1024xf32, #tpu.memory_space<vmem>>
    %dma_wait3A_319 = arith.constant 0 : i32
    %dma_wait3A_320 = tpu.memref_slice %arg3[%add3A_248, %dma_wait3A_314, %dma_wait3A_319] : memref<8192x4x1024xf32, #tpu.memory_space<hbm>> -> memref<120x1x1024xf32, #tpu.memory_space<hbm>>
    %dma_wait3A_321 = tpu.memref_squeeze %dma_wait3A_320 : memref<120x1x1024xf32, #tpu.memory_space<hbm>> -> memref<120x1024xf32, #tpu.memory_space<hbm>>
    %dma_wait3A_322 = arith.constant 0 : i32
    %dma_wait3A_323 = tpu.memref_slice %arg3[%add3A_248, %dma_wait3A_314, %dma_wait3A_322] : memref<8192x4x1024xf32, #tpu.memory_space<hbm>> -> memref<120x1x1024xf32, #tpu.memory_space<hbm>>
    %dma_wait3A_324 = tpu.memref_squeeze %dma_wait3A_323 : memref<120x1x1024xf32, #tpu.memory_space<hbm>> -> memref<120x1024xf32, #tpu.memory_space<hbm>>
    %dma_wait3A_325 = arith.constant 0 : i32
    %dma_wait3A_326 = arith.constant 0 : i32
    %dma_wait3A_327 = tpu.memref_slice %arg4[%dma_wait3A_313, %dma_wait3A_325, %dma_wait3A_326] : memref<1x120x1024xf32, #tpu.memory_space<vmem>> -> memref<1x120x1024xf32, #tpu.memory_space<vmem>>
    %dma_wait3A_328 = tpu.memref_squeeze %dma_wait3A_327 : memref<1x120x1024xf32, #tpu.memory_space<vmem>> -> memref<120x1024xf32, #tpu.memory_space<vmem>>
    tpu.wait_dma2 semaphore(%arg6 : memref<!tpu.dma_semaphore, #tpu.memory_space<semaphore_mem>>) src(%dma_wait3A_328 : memref<120x1024xf32, #tpu.memory_space<vmem>>) dst(%dma_wait3A_324 : memref<120x1024xf32, #tpu.memory_space<hbm>>)
    %add3A_329 = arith.constant 240 : i32
    %add3A_330 = arith.addi %mul3A_2, %add3A_329 : i32
    %dma_start3A_331 = arith.constant 0 : i32
    %dma_start3A_332 = arith.constant 0 : i32
    %dma_start3A_333 = arith.constant 0 : i32
    %dma_start3A_334 = tpu.memref_slice %arg4[%dma_start3A_331, %dma_start3A_332, %dma_start3A_333] : memref<1x120x1024xf32, #tpu.memory_space<vmem>> -> memref<1x16x1024xf32, #tpu.memory_space<vmem>>
    %dma_start3A_335 = tpu.memref_squeeze %dma_start3A_334 : memref<1x16x1024xf32, #tpu.memory_space<vmem>> -> memref<16x1024xf32, #tpu.memory_space<vmem>>
    %dma_start3A_336 = arith.constant 0 : i32
    %dma_start3A_337 = tpu.memref_slice %arg2[%add3A_330, %dma_start3A_336] : memref<8192x1024xf32, #tpu.memory_space<hbm>> -> memref<16x1024xf32, #tpu.memory_space<hbm>>
    %dma_start3A_338 = arith.constant 0 : i32
    %dma_start3A_339 = arith.constant 0 : i32
    %dma_start3A_340 = tpu.memref_slice %arg4[%dma_start3A_331, %dma_start3A_338, %dma_start3A_339] : memref<1x120x1024xf32, #tpu.memory_space<vmem>> -> memref<1x16x1024xf32, #tpu.memory_space<vmem>>
    %dma_start3A_341 = tpu.memref_squeeze %dma_start3A_340 : memref<1x16x1024xf32, #tpu.memory_space<vmem>> -> memref<16x1024xf32, #tpu.memory_space<vmem>>
    %dma_start3A_342 = arith.constant 0 : i32
    %dma_start3A_343 = tpu.memref_slice %arg2[%add3A_330, %dma_start3A_342] : memref<8192x1024xf32, #tpu.memory_space<hbm>> -> memref<16x1024xf32, #tpu.memory_space<hbm>>
    tpu.enqueue_dma source(%dma_start3A_343 : memref<16x1024xf32, #tpu.memory_space<hbm>>) target(%dma_start3A_341 : memref<16x1024xf32, #tpu.memory_space<vmem>>) target_semaphore(%arg5 : memref<!tpu.dma_semaphore, #tpu.memory_space<semaphore_mem>>)
    %dma_wait3A_344 = arith.constant 0 : i32
    %dma_wait3A_345 = arith.constant 0 : i32
    %dma_wait3A_346 = arith.constant 0 : i32
    %dma_wait3A_347 = tpu.memref_slice %arg4[%dma_wait3A_344, %dma_wait3A_345, %dma_wait3A_346] : memref<1x120x1024xf32, #tpu.memory_space<vmem>> -> memref<1x16x1024xf32, #tpu.memory_space<vmem>>
    %dma_wait3A_348 = tpu.memref_squeeze %dma_wait3A_347 : memref<1x16x1024xf32, #tpu.memory_space<vmem>> -> memref<16x1024xf32, #tpu.memory_space<vmem>>
    %dma_wait3A_349 = arith.constant 0 : i32
    %dma_wait3A_350 = tpu.memref_slice %arg2[%add3A_330, %dma_wait3A_349] : memref<8192x1024xf32, #tpu.memory_space<hbm>> -> memref<16x1024xf32, #tpu.memory_space<hbm>>
    %dma_wait3A_351 = arith.constant 0 : i32
    %dma_wait3A_352 = arith.constant 0 : i32
    %dma_wait3A_353 = tpu.memref_slice %arg4[%dma_wait3A_344, %dma_wait3A_351, %dma_wait3A_352] : memref<1x120x1024xf32, #tpu.memory_space<vmem>> -> memref<1x16x1024xf32, #tpu.memory_space<vmem>>
    %dma_wait3A_354 = tpu.memref_squeeze %dma_wait3A_353 : memref<1x16x1024xf32, #tpu.memory_space<vmem>> -> memref<16x1024xf32, #tpu.memory_space<vmem>>
    %dma_wait3A_355 = arith.constant 0 : i32
    %dma_wait3A_356 = tpu.memref_slice %arg2[%add3A_330, %dma_wait3A_355] : memref<8192x1024xf32, #tpu.memory_space<hbm>> -> memref<16x1024xf32, #tpu.memory_space<hbm>>
    tpu.wait_dma2 semaphore(%arg5 : memref<!tpu.dma_semaphore, #tpu.memory_space<semaphore_mem>>) src(%dma_wait3A_356 : memref<16x1024xf32, #tpu.memory_space<hbm>>) dst(%dma_wait3A_354 : memref<16x1024xf32, #tpu.memory_space<vmem>>)
    %add3A_357 = arith.constant 240 : i32
    %add3A_358 = arith.addi %mul3A_2, %add3A_357 : i32
    %dma_start3A_359 = arith.constant 0 : i32
    %dma_start3A_360 = arith.constant 0 : i32
    %dma_start3A_361 = arith.constant 0 : i32
    %dma_start3A_362 = arith.constant 0 : i32
    %dma_start3A_363 = tpu.memref_slice %arg4[%dma_start3A_359, %dma_start3A_361, %dma_start3A_362] : memref<1x120x1024xf32, #tpu.memory_space<vmem>> -> memref<1x16x1024xf32, #tpu.memory_space<vmem>>
    %dma_start3A_364 = tpu.memref_squeeze %dma_start3A_363 : memref<1x16x1024xf32, #tpu.memory_space<vmem>> -> memref<16x1024xf32, #tpu.memory_space<vmem>>
    %dma_start3A_365 = arith.constant 0 : i32
    %dma_start3A_366 = tpu.memref_slice %arg3[%add3A_358, %dma_start3A_360, %dma_start3A_365] : memref<8192x4x1024xf32, #tpu.memory_space<hbm>> -> memref<16x1x1024xf32, #tpu.memory_space<hbm>>
    %dma_start3A_367 = tpu.memref_squeeze %dma_start3A_366 : memref<16x1x1024xf32, #tpu.memory_space<hbm>> -> memref<16x1024xf32, #tpu.memory_space<hbm>>
    %dma_start3A_368 = arith.constant 0 : i32
    %dma_start3A_369 = tpu.memref_slice %arg3[%add3A_358, %dma_start3A_360, %dma_start3A_368] : memref<8192x4x1024xf32, #tpu.memory_space<hbm>> -> memref<16x1x1024xf32, #tpu.memory_space<hbm>>
    %dma_start3A_370 = tpu.memref_squeeze %dma_start3A_369 : memref<16x1x1024xf32, #tpu.memory_space<hbm>> -> memref<16x1024xf32, #tpu.memory_space<hbm>>
    %dma_start3A_371 = arith.constant 0 : i32
    %dma_start3A_372 = arith.constant 0 : i32
    %dma_start3A_373 = tpu.memref_slice %arg4[%dma_start3A_359, %dma_start3A_371, %dma_start3A_372] : memref<1x120x1024xf32, #tpu.memory_space<vmem>> -> memref<1x16x1024xf32, #tpu.memory_space<vmem>>
    %dma_start3A_374 = tpu.memref_squeeze %dma_start3A_373 : memref<1x16x1024xf32, #tpu.memory_space<vmem>> -> memref<16x1024xf32, #tpu.memory_space<vmem>>
    tpu.enqueue_dma source(%dma_start3A_374 : memref<16x1024xf32, #tpu.memory_space<vmem>>) target(%dma_start3A_370 : memref<16x1024xf32, #tpu.memory_space<hbm>>) target_semaphore(%arg6 : memref<!tpu.dma_semaphore, #tpu.memory_space<semaphore_mem>>)
    %add3A_375 = arith.constant 240 : i32
    %add3A_376 = arith.addi %mul3A_2, %add3A_375 : i32
    %dma_start3A_377 = arith.constant 0 : i32
    %dma_start3A_378 = arith.constant 1 : i32
    %dma_start3A_379 = arith.constant 0 : i32
    %dma_start3A_380 = arith.constant 0 : i32
    %dma_start3A_381 = tpu.memref_slice %arg4[%dma_start3A_377, %dma_start3A_379, %dma_start3A_380] : memref<1x120x1024xf32, #tpu.memory_space<vmem>> -> memref<1x16x1024xf32, #tpu.memory_space<vmem>>
    %dma_start3A_382 = tpu.memref_squeeze %dma_start3A_381 : memref<1x16x1024xf32, #tpu.memory_space<vmem>> -> memref<16x1024xf32, #tpu.memory_space<vmem>>
    %dma_start3A_383 = arith.constant 0 : i32
    %dma_start3A_384 = tpu.memref_slice %arg3[%add3A_376, %dma_start3A_378, %dma_start3A_383] : memref<8192x4x1024xf32, #tpu.memory_space<hbm>> -> memref<16x1x1024xf32, #tpu.memory_space<hbm>>
    %dma_start3A_385 = tpu.memref_squeeze %dma_start3A_384 : memref<16x1x1024xf32, #tpu.memory_space<hbm>> -> memref<16x1024xf32, #tpu.memory_space<hbm>>
    %dma_start3A_386 = arith.constant 0 : i32
    %dma_start3A_387 = tpu.memref_slice %arg3[%add3A_376, %dma_start3A_378, %dma_start3A_386] : memref<8192x4x1024xf32, #tpu.memory_space<hbm>> -> memref<16x1x1024xf32, #tpu.memory_space<hbm>>
    %dma_start3A_388 = tpu.memref_squeeze %dma_start3A_387 : memref<16x1x1024xf32, #tpu.memory_space<hbm>> -> memref<16x1024xf32, #tpu.memory_space<hbm>>
    %dma_start3A_389 = arith.constant 0 : i32
    %dma_start3A_390 = arith.constant 0 : i32
    %dma_start3A_391 = tpu.memref_slice %arg4[%dma_start3A_377, %dma_start3A_389, %dma_start3A_390] : memref<1x120x1024xf32, #tpu.memory_space<vmem>> -> memref<1x16x1024xf32, #tpu.memory_space<vmem>>
    %dma_start3A_392 = tpu.memref_squeeze %dma_start3A_391 : memref<1x16x1024xf32, #tpu.memory_space<vmem>> -> memref<16x1024xf32, #tpu.memory_space<vmem>>
    tpu.enqueue_dma source(%dma_start3A_392 : memref<16x1024xf32, #tpu.memory_space<vmem>>) target(%dma_start3A_388 : memref<16x1024xf32, #tpu.memory_space<hbm>>) target_semaphore(%arg6 : memref<!tpu.dma_semaphore, #tpu.memory_space<semaphore_mem>>)
    %add3A_393 = arith.constant 240 : i32
    %add3A_394 = arith.addi %mul3A_2, %add3A_393 : i32
    %dma_start3A_395 = arith.constant 0 : i32
    %dma_start3A_396 = arith.constant 2 : i32
    %dma_start3A_397 = arith.constant 0 : i32
    %dma_start3A_398 = arith.constant 0 : i32
    %dma_start3A_399 = tpu.memref_slice %arg4[%dma_start3A_395, %dma_start3A_397, %dma_start3A_398] : memref<1x120x1024xf32, #tpu.memory_space<vmem>> -> memref<1x16x1024xf32, #tpu.memory_space<vmem>>
    %dma_start3A_400 = tpu.memref_squeeze %dma_start3A_399 : memref<1x16x1024xf32, #tpu.memory_space<vmem>> -> memref<16x1024xf32, #tpu.memory_space<vmem>>
    %dma_start3A_401 = arith.constant 0 : i32
    %dma_start3A_402 = tpu.memref_slice %arg3[%add3A_394, %dma_start3A_396, %dma_start3A_401] : memref<8192x4x1024xf32, #tpu.memory_space<hbm>> -> memref<16x1x1024xf32, #tpu.memory_space<hbm>>
    %dma_start3A_403 = tpu.memref_squeeze %dma_start3A_402 : memref<16x1x1024xf32, #tpu.memory_space<hbm>> -> memref<16x1024xf32, #tpu.memory_space<hbm>>
    %dma_start3A_404 = arith.constant 0 : i32
    %dma_start3A_405 = tpu.memref_slice %arg3[%add3A_394, %dma_start3A_396, %dma_start3A_404] : memref<8192x4x1024xf32, #tpu.memory_space<hbm>> -> memref<16x1x1024xf32, #tpu.memory_space<hbm>>
    %dma_start3A_406 = tpu.memref_squeeze %dma_start3A_405 : memref<16x1x1024xf32, #tpu.memory_space<hbm>> -> memref<16x1024xf32, #tpu.memory_space<hbm>>
    %dma_start3A_407 = arith.constant 0 : i32
    %dma_start3A_408 = arith.constant 0 : i32
    %dma_start3A_409 = tpu.memref_slice %arg4[%dma_start3A_395, %dma_start3A_407, %dma_start3A_408] : memref<1x120x1024xf32, #tpu.memory_space<vmem>> -> memref<1x16x1024xf32, #tpu.memory_space<vmem>>
    %dma_start3A_410 = tpu.memref_squeeze %dma_start3A_409 : memref<1x16x1024xf32, #tpu.memory_space<vmem>> -> memref<16x1024xf32, #tpu.memory_space<vmem>>
    tpu.enqueue_dma source(%dma_start3A_410 : memref<16x1024xf32, #tpu.memory_space<vmem>>) target(%dma_start3A_406 : memref<16x1024xf32, #tpu.memory_space<hbm>>) target_semaphore(%arg6 : memref<!tpu.dma_semaphore, #tpu.memory_space<semaphore_mem>>)
    %add3A_411 = arith.constant 240 : i32
    %add3A_412 = arith.addi %mul3A_2, %add3A_411 : i32
    %dma_start3A_413 = arith.constant 0 : i32
    %dma_start3A_414 = arith.constant 3 : i32
    %dma_start3A_415 = arith.constant 0 : i32
    %dma_start3A_416 = arith.constant 0 : i32
    %dma_start3A_417 = tpu.memref_slice %arg4[%dma_start3A_413, %dma_start3A_415, %dma_start3A_416] : memref<1x120x1024xf32, #tpu.memory_space<vmem>> -> memref<1x16x1024xf32, #tpu.memory_space<vmem>>
    %dma_start3A_418 = tpu.memref_squeeze %dma_start3A_417 : memref<1x16x1024xf32, #tpu.memory_space<vmem>> -> memref<16x1024xf32, #tpu.memory_space<vmem>>
    %dma_start3A_419 = arith.constant 0 : i32
    %dma_start3A_420 = tpu.memref_slice %arg3[%add3A_412, %dma_start3A_414, %dma_start3A_419] : memref<8192x4x1024xf32, #tpu.memory_space<hbm>> -> memref<16x1x1024xf32, #tpu.memory_space<hbm>>
    %dma_start3A_421 = tpu.memref_squeeze %dma_start3A_420 : memref<16x1x1024xf32, #tpu.memory_space<hbm>> -> memref<16x1024xf32, #tpu.memory_space<hbm>>
    %dma_start3A_422 = arith.constant 0 : i32
    %dma_start3A_423 = tpu.memref_slice %arg3[%add3A_412, %dma_start3A_414, %dma_start3A_422] : memref<8192x4x1024xf32, #tpu.memory_space<hbm>> -> memref<16x1x1024xf32, #tpu.memory_space<hbm>>
    %dma_start3A_424 = tpu.memref_squeeze %dma_start3A_423 : memref<16x1x1024xf32, #tpu.memory_space<hbm>> -> memref<16x1024xf32, #tpu.memory_space<hbm>>
    %dma_start3A_425 = arith.constant 0 : i32
    %dma_start3A_426 = arith.constant 0 : i32
    %dma_start3A_427 = tpu.memref_slice %arg4[%dma_start3A_413, %dma_start3A_425, %dma_start3A_426] : memref<1x120x1024xf32, #tpu.memory_space<vmem>> -> memref<1x16x1024xf32, #tpu.memory_space<vmem>>
    %dma_start3A_428 = tpu.memref_squeeze %dma_start3A_427 : memref<1x16x1024xf32, #tpu.memory_space<vmem>> -> memref<16x1024xf32, #tpu.memory_space<vmem>>
    tpu.enqueue_dma source(%dma_start3A_428 : memref<16x1024xf32, #tpu.memory_space<vmem>>) target(%dma_start3A_424 : memref<16x1024xf32, #tpu.memory_space<hbm>>) target_semaphore(%arg6 : memref<!tpu.dma_semaphore, #tpu.memory_space<semaphore_mem>>)
    %dma_wait3A_429 = arith.constant 0 : i32
    %dma_wait3A_430 = arith.constant 0 : i32
    %dma_wait3A_431 = arith.constant 0 : i32
    %dma_wait3A_432 = arith.constant 0 : i32
    %dma_wait3A_433 = tpu.memref_slice %arg4[%dma_wait3A_429, %dma_wait3A_431, %dma_wait3A_432] : memref<1x120x1024xf32, #tpu.memory_space<vmem>> -> memref<1x16x1024xf32, #tpu.memory_space<vmem>>
    %dma_wait3A_434 = tpu.memref_squeeze %dma_wait3A_433 : memref<1x16x1024xf32, #tpu.memory_space<vmem>> -> memref<16x1024xf32, #tpu.memory_space<vmem>>
    %dma_wait3A_435 = arith.constant 0 : i32
    %dma_wait3A_436 = tpu.memref_slice %arg3[%add3A_358, %dma_wait3A_430, %dma_wait3A_435] : memref<8192x4x1024xf32, #tpu.memory_space<hbm>> -> memref<16x1x1024xf32, #tpu.memory_space<hbm>>
    %dma_wait3A_437 = tpu.memref_squeeze %dma_wait3A_436 : memref<16x1x1024xf32, #tpu.memory_space<hbm>> -> memref<16x1024xf32, #tpu.memory_space<hbm>>
    %dma_wait3A_438 = arith.constant 0 : i32
    %dma_wait3A_439 = tpu.memref_slice %arg3[%add3A_358, %dma_wait3A_430, %dma_wait3A_438] : memref<8192x4x1024xf32, #tpu.memory_space<hbm>> -> memref<16x1x1024xf32, #tpu.memory_space<hbm>>
    %dma_wait3A_440 = tpu.memref_squeeze %dma_wait3A_439 : memref<16x1x1024xf32, #tpu.memory_space<hbm>> -> memref<16x1024xf32, #tpu.memory_space<hbm>>
    %dma_wait3A_441 = arith.constant 0 : i32
    %dma_wait3A_442 = arith.constant 0 : i32
    %dma_wait3A_443 = tpu.memref_slice %arg4[%dma_wait3A_429, %dma_wait3A_441, %dma_wait3A_442] : memref<1x120x1024xf32, #tpu.memory_space<vmem>> -> memref<1x16x1024xf32, #tpu.memory_space<vmem>>
    %dma_wait3A_444 = tpu.memref_squeeze %dma_wait3A_443 : memref<1x16x1024xf32, #tpu.memory_space<vmem>> -> memref<16x1024xf32, #tpu.memory_space<vmem>>
    tpu.wait_dma2 semaphore(%arg6 : memref<!tpu.dma_semaphore, #tpu.memory_space<semaphore_mem>>) src(%dma_wait3A_444 : memref<16x1024xf32, #tpu.memory_space<vmem>>) dst(%dma_wait3A_440 : memref<16x1024xf32, #tpu.memory_space<hbm>>)
    %dma_wait3A_445 = arith.constant 0 : i32
    %dma_wait3A_446 = arith.constant 1 : i32
    %dma_wait3A_447 = arith.constant 0 : i32
    %dma_wait3A_448 = arith.constant 0 : i32
    %dma_wait3A_449 = tpu.memref_slice %arg4[%dma_wait3A_445, %dma_wait3A_447, %dma_wait3A_448] : memref<1x120x1024xf32, #tpu.memory_space<vmem>> -> memref<1x16x1024xf32, #tpu.memory_space<vmem>>
    %dma_wait3A_450 = tpu.memref_squeeze %dma_wait3A_449 : memref<1x16x1024xf32, #tpu.memory_space<vmem>> -> memref<16x1024xf32, #tpu.memory_space<vmem>>
    %dma_wait3A_451 = arith.constant 0 : i32
    %dma_wait3A_452 = tpu.memref_slice %arg3[%add3A_376, %dma_wait3A_446, %dma_wait3A_451] : memref<8192x4x1024xf32, #tpu.memory_space<hbm>> -> memref<16x1x1024xf32, #tpu.memory_space<hbm>>
    %dma_wait3A_453 = tpu.memref_squeeze %dma_wait3A_452 : memref<16x1x1024xf32, #tpu.memory_space<hbm>> -> memref<16x1024xf32, #tpu.memory_space<hbm>>
    %dma_wait3A_454 = arith.constant 0 : i32
    %dma_wait3A_455 = tpu.memref_slice %arg3[%add3A_376, %dma_wait3A_446, %dma_wait3A_454] : memref<8192x4x1024xf32, #tpu.memory_space<hbm>> -> memref<16x1x1024xf32, #tpu.memory_space<hbm>>
    %dma_wait3A_456 = tpu.memref_squeeze %dma_wait3A_455 : memref<16x1x1024xf32, #tpu.memory_space<hbm>> -> memref<16x1024xf32, #tpu.memory_space<hbm>>
    %dma_wait3A_457 = arith.constant 0 : i32
    %dma_wait3A_458 = arith.constant 0 : i32
    %dma_wait3A_459 = tpu.memref_slice %arg4[%dma_wait3A_445, %dma_wait3A_457, %dma_wait3A_458] : memref<1x120x1024xf32, #tpu.memory_space<vmem>> -> memref<1x16x1024xf32, #tpu.memory_space<vmem>>
    %dma_wait3A_460 = tpu.memref_squeeze %dma_wait3A_459 : memref<1x16x1024xf32, #tpu.memory_space<vmem>> -> memref<16x1024xf32, #tpu.memory_space<vmem>>
    tpu.wait_dma2 semaphore(%arg6 : memref<!tpu.dma_semaphore, #tpu.memory_space<semaphore_mem>>) src(%dma_wait3A_460 : memref<16x1024xf32, #tpu.memory_space<vmem>>) dst(%dma_wait3A_456 : memref<16x1024xf32, #tpu.memory_space<hbm>>)
    %dma_wait3A_461 = arith.constant 0 : i32
    %dma_wait3A_462 = arith.constant 2 : i32
    %dma_wait3A_463 = arith.constant 0 : i32
    %dma_wait3A_464 = arith.constant 0 : i32
    %dma_wait3A_465 = tpu.memref_slice %arg4[%dma_wait3A_461, %dma_wait3A_463, %dma_wait3A_464] : memref<1x120x1024xf32, #tpu.memory_space<vmem>> -> memref<1x16x1024xf32, #tpu.memory_space<vmem>>
    %dma_wait3A_466 = tpu.memref_squeeze %dma_wait3A_465 : memref<1x16x1024xf32, #tpu.memory_space<vmem>> -> memref<16x1024xf32, #tpu.memory_space<vmem>>
    %dma_wait3A_467 = arith.constant 0 : i32
    %dma_wait3A_468 = tpu.memref_slice %arg3[%add3A_394, %dma_wait3A_462, %dma_wait3A_467] : memref<8192x4x1024xf32, #tpu.memory_space<hbm>> -> memref<16x1x1024xf32, #tpu.memory_space<hbm>>
    %dma_wait3A_469 = tpu.memref_squeeze %dma_wait3A_468 : memref<16x1x1024xf32, #tpu.memory_space<hbm>> -> memref<16x1024xf32, #tpu.memory_space<hbm>>
    %dma_wait3A_470 = arith.constant 0 : i32
    %dma_wait3A_471 = tpu.memref_slice %arg3[%add3A_394, %dma_wait3A_462, %dma_wait3A_470] : memref<8192x4x1024xf32, #tpu.memory_space<hbm>> -> memref<16x1x1024xf32, #tpu.memory_space<hbm>>
    %dma_wait3A_472 = tpu.memref_squeeze %dma_wait3A_471 : memref<16x1x1024xf32, #tpu.memory_space<hbm>> -> memref<16x1024xf32, #tpu.memory_space<hbm>>
    %dma_wait3A_473 = arith.constant 0 : i32
    %dma_wait3A_474 = arith.constant 0 : i32
    %dma_wait3A_475 = tpu.memref_slice %arg4[%dma_wait3A_461, %dma_wait3A_473, %dma_wait3A_474] : memref<1x120x1024xf32, #tpu.memory_space<vmem>> -> memref<1x16x1024xf32, #tpu.memory_space<vmem>>
    %dma_wait3A_476 = tpu.memref_squeeze %dma_wait3A_475 : memref<1x16x1024xf32, #tpu.memory_space<vmem>> -> memref<16x1024xf32, #tpu.memory_space<vmem>>
    tpu.wait_dma2 semaphore(%arg6 : memref<!tpu.dma_semaphore, #tpu.memory_space<semaphore_mem>>) src(%dma_wait3A_476 : memref<16x1024xf32, #tpu.memory_space<vmem>>) dst(%dma_wait3A_472 : memref<16x1024xf32, #tpu.memory_space<hbm>>)
    %dma_wait3A_477 = arith.constant 0 : i32
    %dma_wait3A_478 = arith.constant 3 : i32
    %dma_wait3A_479 = arith.constant 0 : i32
    %dma_wait3A_480 = arith.constant 0 : i32
    %dma_wait3A_481 = tpu.memref_slice %arg4[%dma_wait3A_477, %dma_wait3A_479, %dma_wait3A_480] : memref<1x120x1024xf32, #tpu.memory_space<vmem>> -> memref<1x16x1024xf32, #tpu.memory_space<vmem>>
    %dma_wait3A_482 = tpu.memref_squeeze %dma_wait3A_481 : memref<1x16x1024xf32, #tpu.memory_space<vmem>> -> memref<16x1024xf32, #tpu.memory_space<vmem>>
    %dma_wait3A_483 = arith.constant 0 : i32
    %dma_wait3A_484 = tpu.memref_slice %arg3[%add3A_412, %dma_wait3A_478, %dma_wait3A_483] : memref<8192x4x1024xf32, #tpu.memory_space<hbm>> -> memref<16x1x1024xf32, #tpu.memory_space<hbm>>
    %dma_wait3A_485 = tpu.memref_squeeze %dma_wait3A_484 : memref<16x1x1024xf32, #tpu.memory_space<hbm>> -> memref<16x1024xf32, #tpu.memory_space<hbm>>
    %dma_wait3A_486 = arith.constant 0 : i32
    %dma_wait3A_487 = tpu.memref_slice %arg3[%add3A_412, %dma_wait3A_478, %dma_wait3A_486] : memref<8192x4x1024xf32, #tpu.memory_space<hbm>> -> memref<16x1x1024xf32, #tpu.memory_space<hbm>>
    %dma_wait3A_488 = tpu.memref_squeeze %dma_wait3A_487 : memref<16x1x1024xf32, #tpu.memory_space<hbm>> -> memref<16x1024xf32, #tpu.memory_space<hbm>>
    %dma_wait3A_489 = arith.constant 0 : i32
    %dma_wait3A_490 = arith.constant 0 : i32
    %dma_wait3A_491 = tpu.memref_slice %arg4[%dma_wait3A_477, %dma_wait3A_489, %dma_wait3A_490] : memref<1x120x1024xf32, #tpu.memory_space<vmem>> -> memref<1x16x1024xf32, #tpu.memory_space<vmem>>
    %dma_wait3A_492 = tpu.memref_squeeze %dma_wait3A_491 : memref<1x16x1024xf32, #tpu.memory_space<vmem>> -> memref<16x1024xf32, #tpu.memory_space<vmem>>
    tpu.wait_dma2 semaphore(%arg6 : memref<!tpu.dma_semaphore, #tpu.memory_space<semaphore_mem>>) src(%dma_wait3A_492 : memref<16x1024xf32, #tpu.memory_space<vmem>>) dst(%dma_wait3A_488 : memref<16x1024xf32, #tpu.memory_space<hbm>>)
    return
  }
}

</mosaic_0001>

<sc_bundles>
// kernel: kernel.3.cloned.1.call-start
scs
__scs_entry_jumppad:
0x0: {  	(pc) =	sbr.rel $0x88, $3  }
0x1: {  	(tag) =	ssettag $0x0;
	lr =	simm.s32 $0x1  }
0x2: {  	[smem:$0x3FA0] =	sst lr;
	_ =	strace $0xD0000000  }
0x3: {  	_ = 	snop  }
0x4: {  	_ = 	snop  }
0x5: {  	_ = 	snop  }
0x6: {  	_ = 	snop  }
0x7: {  	_ = 	snop  }
__scs_overlays_trampoline_lowered:
0x8: {  	[smem:$0x3FAF] =	sst s0  }
0x9: {  	[smem:$0x3FB0] =	sst s1  }
0xa: {  	[smem:$0x3FB1] =	sst s2  }
0xb: {  	[smem:$0x3FB2] =	sst s3  }
0xc: {  	[smem:$0x3FB3] =	sst s4  }
0xd: {  	[smem:$0x3FB4] =	sst s5  }
0xe: {  	[smem:$0x3FB5] =	sst s6  }
0xf: {  	[smem:$0x3FB6] =	sst s7  }
0x10: {  	[smem:$0x3FB7] =	sst s8  }
0x11: {  	[smem:$0x3FB8] =	sst s9;
	s0 =	simm.s32 @!p0 $0x0  }
0x12: {  	s1 =	sld [smem:$0x3F9E];
	s0 =	simm.s32 @p0 $0x1  }
0x13: {  	[smem:$0x3FB9] =	sst s0;
	s0 =	simm.s32 @!p1 $0x0  }
0x14: {  	s2 =	sld [smem:$0x3F9D];
	s0 =	simm.s32 @p1 $0x1  }
0x15: {  	[smem:$0x3FBA] =	sst s0;
	s0 =	simm.s32 @!p2 $0x0  }
0x16: {  	s3 =	sld [smem:$0x3FDB];
	s0 =	simm.s32 @p2 $0x1  }
0x17: {  	s4 =	simm.s32 $0x1BF5;
	[smem:$0x3FBC] =	sst s0  }
0x18: {  	s0 =	sld [smem:$0x3F9F];
	_ =	swait.ge [sflag:s4], $0x0  }
0x19: {  	s7 =	sld [smem:$0x3FA0]  }
0x1a: {  	s8 =	sadd.s32 $0xFFFFE003, lr  }
0x1b: {  	s9 =	sadd.s32 $0xFFFFFEF7, lr;
	s5 =	simm.s32 $0xFFFFFFFF;
	p2 =	slt.u32 s8, $0xFFFFF086  }
0x1c: {  	p1 =	slt.u32 s9, $0xF7A;
	s5 =	simm.s32 @!p2 $0x0  }
0x1d: {  	s5 =	simm.s32 @p1 $0x1;
	p0 =	seq.s32 s7, s2  }
0x1e: {  	s7 =	smul.u32 @!p0 $0xF7A, s2;
	p2 =	seq.s32 @!p0 s5, $0x0  }
0x1f: {  	s9 =	smul.u32 $0xF7A, s1;
	s8 =	simm.s32 @!p0 $0x1BF5;
	p2 =	por !p2, p0  }
0x20: {  	[sflag:s8] =	ssyncset.s32 @!p0 $0xFFFFF086;
	s6 =	sadd.s32 @!p0 s3, s7;
	s7 =	simm.s32 @!p0 $0x108  }
0x21: {  	s3 =	sadd.s32 s3, s9;
	s6 =	sadd.s32 @!p0 $0x88, s6;
	s7 =	simm.s32 @p2 $0x1082  }
0x22: {  	[simem:s7], [sflag:s8] =	dma.local @!p0 [hbm:s6], $0xF7A  }
0x23: {  	s9 =	sor.u32 $0xD0000000, s2;
	s6 =	simm.s32 $0x108;
	_ =	swait.ge @!p0 [sflag:s8], $0x0  }
0x24: {  	s3 =	sadd.s32 $0x88, s3;
	s6 =	simm.s32 @!p1 $0x1082;
	[sflag:s4] =	ssyncset.s32 $0xFFFFF086  }
0x25: {  	[simem:s6], [sflag:s4] =	dma.local [hbm:s3], $0xF7A  }
0x26: {  	[smem:$0x3FA0] =	sst s1;
	(tag) =	ssettag s2;
	_ =	strace s9  }
0x27: {  	s1 =	sld [smem:$0x3FB0]  }
0x28: {  	s2 =	sld [smem:$0x3FB1]  }
0x29: {  	s4 =	sld [smem:$0x3FB3]  }
0x2a: {  	p0 =	seq.s32 s5, $0x0;
	s5 =	sld [smem:$0x3FB4]  }
0x2b: {  	s6 =	sld [smem:$0x3FB5]  }
0x2c: {  	s7 =	sld [smem:$0x3FB6]  }
0x2d: {  	s3 =	simm.s32 $0x108;
	s8 =	sld [smem:$0x3FB7]  }
0x2e: {  	s3 =	simm.s32 @!p0 $0x1082;
	s9 =	sld [smem:$0x3FB8]  }
0x2f: {  	lr =	sadd.s32 s0, s3;
	s0 =	sld [smem:$0x3FAF]  }
0x30: {  	s3 =	sld [smem:$0x3FB2]  }
0x31: {  	[smem:$0x3FBB] =	sst s10  }
0x32: {  	s10 =	sld [smem:$0x3FB9];
	_ =	sdelay $0x3  }
0x33: {  	p0 =	seq.s32 s10, $0x1;
	s10 =	sld [smem:$0x3FBB];
	_ =	sdelay $0x3  }
0x34: {  	[smem:$0x3FBB] =	sst s10  }
0x35: {  	s10 =	sld [smem:$0x3FBA];
	_ =	sdelay $0x3  }
0x36: {  	p1 =	seq.s32 s10, $0x1;
	s10 =	sld [smem:$0x3FBB];
	_ =	sdelay $0x3  }
0x37: {  	[smem:$0x3FBB] =	sst s10  }
0x38: {  	s10 =	sld [smem:$0x3FBC]  }
0x39: {  	_ = 	snop;
	(pc) =	sbr.ind lr, $3  }
0x3a: {  	_ = 	snop  }
0x3b: {  	_ = 	snop  }
0x3c: {  	p2 =	seq.s32 s10, $0x1;
	s10 =	sld [smem:$0x3FBB]  }
0x3d: {  	_ =	shalt  }
0x3e: {  	_ =	shalt  }
0x3f: {  	_ =	shalt  }
0x40: {  	_ =	shalt  }
0x41: {  	_ =	shalt  }
0x42: {  	_ =	shalt  }
0x43: {  	_ =	shalt  }
0x44: {  	_ =	shalt  }
0x45: {  	_ =	shalt  }
0x46: {  	_ =	shalt  }
0x47: {  	_ =	shalt  }
0x48: {  	_ =	shalt  }
0x49: {  	_ =	shalt  }
0x4a: {  	_ =	shalt  }
0x4b: {  	_ =	shalt  }
0x4c: {  	_ =	shalt  }
0x4d: {  	_ =	shalt  }
0x4e: {  	_ =	shalt  }
0x4f: {  	_ =	shalt  }
0x50: {  	_ =	shalt  }
0x51: {  	_ =	shalt  }
0x52: {  	_ =	shalt  }
0x53: {  	_ =	shalt  }
0x54: {  	_ =	shalt  }
0x55: {  	_ =	shalt  }
0x56: {  	_ =	shalt  }
0x57: {  	_ =	shalt  }
0x58: {  	_ =	shalt  }
0x59: {  	_ =	shalt  }
0x5a: {  	_ =	shalt  }
0x5b: {  	_ =	shalt  }
0x5c: {  	_ =	shalt  }
0x5d: {  	_ =	shalt  }
0x5e: {  	_ =	shalt  }
0x5f: {  	_ =	shalt  }
0x60: {  	_ =	shalt  }
0x61: {  	_ =	shalt  }
0x62: {  	_ =	shalt  }
0x63: {  	_ =	shalt  }
0x64: {  	_ =	shalt  }
0x65: {  	_ =	shalt  }
0x66: {  	_ =	shalt  }
0x67: {  	_ =	shalt  }
0x68: {  	_ =	shalt  }
0x69: {  	_ =	shalt  }
0x6a: {  	_ =	shalt  }
0x6b: {  	_ =	shalt  }
0x6c: {  	_ =	shalt  }
0x6d: {  	_ =	shalt  }
0x6e: {  	_ =	shalt  }
0x6f: {  	_ =	shalt  }
0x70: {  	_ =	shalt  }
0x71: {  	_ =	shalt  }
0x72: {  	_ =	shalt  }
0x73: {  	_ =	shalt  }
0x74: {  	_ =	shalt  }
0x75: {  	_ =	shalt  }
0x76: {  	_ =	shalt  }
0x77: {  	_ =	shalt  }
0x78: {  	_ =	shalt  }
0x79: {  	_ =	shalt  }
0x7a: {  	_ =	shalt  }
0x7b: {  	_ =	shalt  }
0x7c: {  	_ =	shalt  }
0x7d: {  	_ =	shalt  }
0x7e: {  	_ =	shalt  }
0x7f: {  	_ =	shalt  }
0x80: {  	_ =	shalt  }
0x81: {  	_ =	shalt  }
0x82: {  	_ =	shalt  }
0x83: {  	_ =	shalt  }
0x84: {  	_ =	shalt  }
0x85: {  	_ =	shalt  }
0x86: {  	_ =	shalt  }
0x87: {  	_ =	shalt  }
.Lfunc_end0:
.L_simem_size_0:
called_computation_lowered:
.L_overlay_start_0:
0x88: {  	s2 =	sld [smem:$0x3FD9]  }
0x89: {  	s3 =	sld [smem:$0x3FFE];
	_ =	sdelay $0x1  }
0x8a: {  	s1 =	srdreg.scid  }
0x8b: {  	s0 =	sand.u32 $0x1, s1  }
0x8c: {  	s18 =	sshll.u32 s0, $0xA;
	s2 =	sadd.s32 s3, s2  }
0x8d: {  	s2 =	sadd.s32 s2, s18  }
0x8e: {  	[smem:$0x3FC7] =	sst s2  }
0x8f: {  	_ = 	snop  }
0x90: {  	s2 =	sld [smem:$0x3FC9]  }
0x91: {  	s19 =	sld [smem:$0x3FD0];
	(tm) =	ssettm $0x1  }
0x92: {  	s4 =	sld [smem:$0x3FFB];
	_ =	sdelay $0x3  }
0x93: {  	_ =	strace s4  }
0x94: {  	s4 =	sld [smem:$0x3FFC];
	_ =	sdelay $0x3  }
0x95: {  	_ =	strace s4  }
0x96: {  	s4 =	sld [smem:$0x3FFD];
	_ =	sdelay $0x3  }
0x97: {  	_ =	strace s4  }
0x98: {  	_ =	strace $0x8FFFFFFF  }
0x99: {  	s20 =	sld [smem:$0x3FDB];
	_ =	sdelay $0x1  }
0x9a: {  	s5 =	simm.s32 $_scs_section_size  }
0x9b: {  	s6 =	simm.s32 $_size__tile_overlayer_lowered;
	s7 =	simm.s32 $_tile_overlayer_lowered  }
0x9c: {  	s23 =	simm.s32 $0x1BFF;
	s22 =	sshll.u32 s7, $0x1;
	s4 =	sadd.s32 s5, s20  }
0x9d: {  	s8 =	simm.s32 $0x0;
	s21 =	sshll.u32 s6, $0x1;
	s6 =	sadd.s32 s22, s4  }
0x9e: {  	[timem:s8], [sflag:s23] =	dma.local [hbm:s6], s21  }
0x9f: {  	_ =	swait.ge [sflag:s23], s21  }
0xa0: {  	s5 =	ssub.s32 $0x0, s21;
	[sflag:s23] =	ssyncset.done $0x0  }
0xa1: {  	[sflag:s23] =	ssyncadd.s32 s5;
	_ =	sdelay $0x1  }
0xa2: {  	s24 =	simm.s32 $0x1B8B  }
0xa3: {  	_ =	swait.ge [sflag:s24], $0x1  }
0xa4: {  	[sflag:s24] =	ssyncset.done $0x0  }
0xa5: {  	s25 =	simm.s32 $0x1B8E;
	[sflag:s24] =	ssyncadd.s32 $0xFFFFFFFF  }
0xa6: {  	s26 =	simm.s32 $execute0_lowered;
	[smem:$0x3FD2] =	sst s25  }
0xa7: {  	s5 =	sshll.u32 s26, $0x1;
	_ =	strace $0x80000046;
	[dreg:$0x1] =	wrdreg $0xFFFFFFFF  }
0xa8: {  	s28 =	simm.s32 $_size_execute0_lowered;
	s4 =	sadd.s32 s4, s5;
	[dreg:$0x0] =	wrdreg $0x0  }
0xa9: {  	s5 =	sshll.u32 s28, $0x1;
	[dreg:$0x2] =	wrdreg s4  }
0xaa: {  	[dreg:$0x3] =	wrdreg s5  }
0xab: {  	[dreg:$0x4] =	wrdreg $0xC0  }
0xac: {  	_ =	task [dreg:s8], $0x5FFFF  }
0xad: {  	[dreg:$0x1] =	wrdreg $0xFFFFFFFF  }
0xae: {  	[dreg:$0x0] =	wrdreg $0x60  }
0xaf: {  	[dreg:$0x2] =	wrdreg s2  }
0xb0: {  	[dreg:$0x3] =	wrdreg s19  }
0xb1: {  	[dreg:$0x4] =	wrdreg $0x9  }
0xb2: {  	_ =	task.clear_ibuf [dreg:s8], $0x5FFFF;
	_ =	strace $0x90000046  }
0xb3: {  	s29 =	simm.s32 $0x9;
	_ =	strace $0x80000048  }
0xb4: {  	_ =	swait.ge [sflag:s29], $0x1  }
0xb5: {  	[sflag:s29] =	ssyncadd.s32 $0xFFFFFFFF  }
0xb6: {  	_ =	strace $0x90000048  }
0xb7: {  	_ =	sfence  }
0xb8: {  	s30 =	sld [smem:$0x0];
	_ =	sdelay $0x2  }
0xb9: {  	s31 =	sshll.u32 s1, $0xD;
	s1 =	sshrl.u32 s1, $0x2  }
0xba: {  	s3 =	sand.u32 $0x4000, s31;
	s1 =	sadd.s32 s1, s30  }
0xbb: {  	s0 =	sor.u32 s3, s0;
	s1 =	sshll.u32 s1, $0x11  }
0xbc: {  	s0 =	sor.u32 s1, s0  }
0xbd: {  	s0 =	sadd.s32 $0x8F2B, s0  }
0xbe: {  	[sflag:s0] =	ssyncadd.remote.s32 $0x1  }
0xbf: {  	_ =	sfence.sel $0xFFFF  }
0xc0: {  	[dreg:$0x0] =	wrdreg $0xFFFFFFFF;
	(pc) =	sbr.abs _section_cstart, $3  }
0xc1: {  	[dreg:$0x1] =	wrdreg $0xFFFFFFFF  }
0xc2: {  	_ =	task.clear_ibuf [dreg:s8], $0x2FFFF;
	_ =	strace $0x9FFFFFFF  }
0xc3: {  	(tm) =	ssettm $0x7FFFFFFF  }
tec
execute0_lowered:
.L_overlay_start_1:
0x0: {  	(tag) =	ssettag $0x1  }
0x1: {  	s0 =	rddreg [dreg:$0x0]  }
0x2: {  	s1 =	rddreg [dreg:$0x1];
	s3 =	srdreg.scid;
	s2 =	simm.s32 $0x0  }
0x3: {  	s5 =	stileid.u32;
	s20 =	simm.s32 $0x80;
	s21 =	simm.s32 $0x1000  }
0x4: {  	s22 =	simm.s32 $0x2;
	s30 =	simm.s32 $0x1800;
	s31 =	simm.s32 $0x1C00  }
0x5: {  	s18 =	simm.s32 $0x3400;
	s19 =	simm.s32 $0x0;
	s23 =	simm.s32 $0x3C00  }
0x6: {  	s3 =	sand.u32 $0x1, s3;
	[smem:$0x7FF] =	sst s2;
	s5 =	sshll.u32 s5, $0x1  }
0x7: {  	s13 =	sadd.s32 $0x10, s1;
	s16 =	sadd.s32 $0x20, s1;
	s17 =	sadd.s32 $0x30, s1  }
0x8: {  	s4 =	ssub.s32 $0x2, s3;
	_ =	strace $0x80000047;
	s3 =	sor.u32 s3, s5  }
0x9: {  	s6 =	sshrl.u32 s4, $0x1;
	s10 =	sshll.u32 s3, $0x8;
	s24 =	sshll.u32 s3, $0xF  }
0xa: {  	s3 =	sshll.u32 s3, $0x11;
	s8 =	ssub.s32 s4, s6;
	s4 =	sadd.s32 s0, s24  }
0xb: {  	s5 =	sadd.s32 s3, s13;
	s6 =	sadd.s32 s3, s16;
	s9 =	sor.u32 $0x78, s10  }
0xc: {  	s7 =	sadd.s32 s3, s17;
	s26 =	sor.u32 $0xF0, s10;
	[dreg:$0x3] =	wrdreg s4  }
0xd: {  	s4 =	sadd.s32 s1, s3;
	s25 =	sshll.u32 s9, $0x7;
	s12 =	sshll.u32 s9, $0x9  }
0xe: {  	s14 =	sshll.u32 s26, $0x7;
	s28 =	sshll.u32 s26, $0x9;
	s29 =	smax.u32 s8, $0x1  }
0xf: {  	s8 =	simm.s32 $0x2C00;
	s3 =	sadd.s32 s0, s25;
	s9 =	sadd.s32 s1, s12  }
0x10: {  	s10 =	sadd.s32 s12, s13;
	s11 =	sadd.s32 s12, s16;
	s12 =	sadd.s32 s12, s17  }
0x11: {  	s0 =	sadd.s32 s0, s14;
	s14 =	sadd.s32 s1, s28;
	s15 =	sadd.s32 s28, s13  }
0x12: {  	s16 =	sadd.s32 s28, s16;
	s17 =	sadd.s32 s28, s17;
	[dreg:$0x6] =	wrdreg s29  }
0x13: {  	s1 =	simm.s32 $0x0;
	s13 =	simm.s32 $0x3000;
	[dreg:$0x4] =	wrdreg s3  }
0x14: {  	[dreg:$0x5] =	wrdreg s0;
	s0 =	simm.s32 $0x1;
	s3 =	simm.s32 $0x2800  }
.LBB2_1:
0x15: {  	s24 =	rddreg [dreg:$0x3]  }
0x16: {  	[tilespmem:s2], [sflag:$0x1] =	stream.linear.gather [hbm4b:s24+s2], $0x1E000, $0x38;
	[tilespmem:$0x1E000] =	vst v63  }
0x17: {  	_ =	swait.ge [sflag:s0], $0x1E000  }
0x18: {  	[sflag:s0] =	ssyncset.done $0x0  }
0x19: {  	s26 =	simm.s32 $0x0;
	[sflag:s0] =	ssyncadd.s32 $0xFFFE2000  }
0x1a: {  	[hbm4b:s4+s20] =	stream.strided.scatter [tilespmem:s26], [sflag:$0x2], $0x400, s21, s20, $0x38;
	[tilespmem:$0x1E000] =	vst v63  }
0x1b: {  	s29 =	simm.s32 $0x400;
	s25 =	sadd.s32 $0x40, s4  }
0x1c: {  	[hbm4b:s25+s20] =	stream.strided.scatter [tilespmem:s29], [sflag:$0x2], $0x400, s21, s20, $0x38;
	[tilespmem:$0x1E000] =	vst v63  }
0x1d: {  	s26 =	simm.s32 $0x800;
	s29 =	sadd.s32 $0x80, s4  }
0x1e: {  	[hbm4b:s29+s20] =	stream.strided.scatter [tilespmem:s26], [sflag:$0x2], $0x400, s21, s20, $0x38;
	[tilespmem:$0x1E000] =	vst v63  }
0x1f: {  	s26 =	simm.s32 $0xC00;
	s29 =	sadd.s32 $0xC0, s4  }
0x20: {  	[hbm4b:s29+s20] =	stream.strided.scatter [tilespmem:s26], [sflag:$0x2], $0x400, s21, s20, $0x38;
	[tilespmem:$0x1E000] =	vst v63  }
0x21: {  	s26 =	simm.s32 $0x1000;
	s29 =	sadd.s32 $0x100, s4  }
0x22: {  	[hbm4b:s29+s20] =	stream.strided.scatter [tilespmem:s26], [sflag:$0x2], $0x400, s21, s20, $0x38;
	[tilespmem:$0x1E000] =	vst v63  }
0x23: {  	s26 =	simm.s32 $0x1400;
	s29 =	sadd.s32 $0x140, s4  }
0x24: {  	[hbm4b:s29+s20] =	stream.strided.scatter [tilespmem:s26], [sflag:$0x2], $0x400, s21, s20, $0x38;
	[tilespmem:$0x1E000] =	vst v63  }
0x25: {  	s28 =	sadd.s32 $0x1C0, s4;
	s26 =	simm.s32 $0x1800;
	s29 =	sadd.s32 $0x180, s4  }
0x26: {  	[hbm4b:s29+s20] =	stream.strided.scatter [tilespmem:s26], [sflag:$0x2], $0x400, s21, s20, $0x38;
	[tilespmem:$0x1E000] =	vst v63  }
0x27: {  	s24 =	simm.s32 $0x8000;
	s25 =	sadd.s32 $0x1000, s4;
	s26 =	simm.s32 $0x1C00  }
.LBB2_2:
0x28: {  	[hbm4b:s28+s20] =	stream.strided.scatter [tilespmem:s26], [sflag:$0x2], $0x400, s21, s20, $0x38;
	[tilespmem:$0x1E000] =	vst v63  }
0x29: {  	s26 =	sshra.s32 s24, $0x2;
	p0 =	sne.s32 s24, $0x70000;
	s24 =	sadd.s32 $0x8000, s24  }
0x2a: {  	[hbm4b:s25+s20] =	stream.strided.scatter [tilespmem:s26], [sflag:$0x2], $0x400, s21, s20, $0x38;
	[tilespmem:$0x1E000] =	vst v63  }
0x2b: {  	s29 =	sadd.s32 $0x40, s25;
	s28 =	sadd.s32 $0x400, s26  }
0x2c: {  	[hbm4b:s29+s20] =	stream.strided.scatter [tilespmem:s28], [sflag:$0x2], $0x400, s21, s20, $0x38;
	[tilespmem:$0x1E000] =	vst v63  }
0x2d: {  	s28 =	sadd.s32 $0x800, s26;
	s29 =	sadd.s32 $0x80, s25  }
0x2e: {  	[hbm4b:s29+s20] =	stream.strided.scatter [tilespmem:s28], [sflag:$0x2], $0x400, s21, s20, $0x38;
	[tilespmem:$0x1E000] =	vst v63  }
0x2f: {  	s28 =	sadd.s32 $0xC00, s26;
	s29 =	sadd.s32 $0xC0, s25  }
0x30: {  	[hbm4b:s29+s20] =	stream.strided.scatter [tilespmem:s28], [sflag:$0x2], $0x400, s21, s20, $0x38;
	[tilespmem:$0x1E000] =	vst v63  }
0x31: {  	s28 =	sadd.s32 $0x1000, s26;
	s29 =	sadd.s32 $0x100, s25  }
0x32: {  	[hbm4b:s29+s20] =	stream.strided.scatter [tilespmem:s28], [sflag:$0x2], $0x400, s21, s20, $0x38;
	[tilespmem:$0x1E000] =	vst v63  }
.Ltmp0:
0x33: {  	s28 =	sadd.s32 $0x1400, s26;
	s29 =	sadd.s32 $0x140, s25;
	(pc) =	sbr.rel @p0 .LBB2_2-.Ltmp0, $4  }
0x34: {  	[hbm4b:s29+s20] =	stream.strided.scatter [tilespmem:s28], [sflag:$0x2], $0x400, s21, s20, $0x38;
	[tilespmem:$0x1E000] =	vst v63  }
0x35: {  	s28 =	sadd.s32 $0x1800, s26;
	s29 =	sadd.s32 $0x180, s25  }
0x36: {  	[hbm4b:s29+s20] =	stream.strided.scatter [tilespmem:s28], [sflag:$0x2], $0x400, s21, s20, $0x38;
	[tilespmem:$0x1E000] =	vst v63  }
0x37: {  	s26 =	sadd.s32 $0x1C00, s26;
	s28 =	sadd.s32 $0x1C0, s25;
	s25 =	sadd.s32 $0x1000, s25  }
0x38: {  	[hbm4b:s28+s20] =	stream.strided.scatter [tilespmem:s26], [sflag:$0x2], $0x400, s21, s20, $0x38;
	[tilespmem:$0x1E000] =	vst v63  }
0x39: {  	s24 =	simm.s32 $0x0  }
0x3a: {  	[hbm4b:s5+s20] =	stream.strided.scatter [tilespmem:s24], [sflag:$0x2], $0x400, s21, s20, $0x38;
	[tilespmem:$0x1E000] =	vst v63  }
0x3b: {  	s29 =	simm.s32 $0x400;
	s25 =	sadd.s32 $0x40, s5  }
0x3c: {  	[hbm4b:s25+s20] =	stream.strided.scatter [tilespmem:s29], [sflag:$0x2], $0x400, s21, s20, $0x38;
	[tilespmem:$0x1E000] =	vst v63  }
0x3d: {  	s26 =	simm.s32 $0x800;
	s29 =	sadd.s32 $0x80, s5  }
0x3e: {  	[hbm4b:s29+s20] =	stream.strided.scatter [tilespmem:s26], [sflag:$0x2], $0x400, s21, s20, $0x38;
	[tilespmem:$0x1E000] =	vst v63  }
0x3f: {  	s26 =	simm.s32 $0xC00;
	s29 =	sadd.s32 $0xC0, s5  }
0x40: {  	[hbm4b:s29+s20] =	stream.strided.scatter [tilespmem:s26], [sflag:$0x2], $0x400, s21, s20, $0x38;
	[tilespmem:$0x1E000] =	vst v63  }
0x41: {  	s26 =	simm.s32 $0x1000;
	s29 =	sadd.s32 $0x100, s5  }
0x42: {  	[hbm4b:s29+s20] =	stream.strided.scatter [tilespmem:s26], [sflag:$0x2], $0x400, s21, s20, $0x38;
	[tilespmem:$0x1E000] =	vst v63  }
0x43: {  	s26 =	simm.s32 $0x1400;
	s29 =	sadd.s32 $0x140, s5  }
0x44: {  	[hbm4b:s29+s20] =	stream.strided.scatter [tilespmem:s26], [sflag:$0x2], $0x400, s21, s20, $0x38;
	[tilespmem:$0x1E000] =	vst v63  }
0x45: {  	s28 =	sadd.s32 $0x1C0, s5;
	s26 =	simm.s32 $0x1800;
	s29 =	sadd.s32 $0x180, s5  }
0x46: {  	[hbm4b:s29+s20] =	stream.strided.scatter [tilespmem:s26], [sflag:$0x2], $0x400, s21, s20, $0x38;
	[tilespmem:$0x1E000] =	vst v63  }
0x47: {  	s24 =	simm.s32 $0x8000;
	s25 =	sadd.s32 $0x1000, s5;
	s26 =	simm.s32 $0x1C00  }
.LBB2_4:
0x48: {  	[hbm4b:s28+s20] =	stream.strided.scatter [tilespmem:s26], [sflag:$0x2], $0x400, s21, s20, $0x38;
	[tilespmem:$0x1E000] =	vst v63  }
0x49: {  	s26 =	sshra.s32 s24, $0x2;
	p0 =	sne.s32 s24, $0x70000;
	s24 =	sadd.s32 $0x8000, s24  }
0x4a: {  	[hbm4b:s25+s20] =	stream.strided.scatter [tilespmem:s26], [sflag:$0x2], $0x400, s21, s20, $0x38;
	[tilespmem:$0x1E000] =	vst v63  }
0x4b: {  	s29 =	sadd.s32 $0x40, s25;
	s28 =	sadd.s32 $0x400, s26  }
0x4c: {  	[hbm4b:s29+s20] =	stream.strided.scatter [tilespmem:s28], [sflag:$0x2], $0x400, s21, s20, $0x38;
	[tilespmem:$0x1E000] =	vst v63  }
0x4d: {  	s28 =	sadd.s32 $0x800, s26;
	s29 =	sadd.s32 $0x80, s25  }
0x4e: {  	[hbm4b:s29+s20] =	stream.strided.scatter [tilespmem:s28], [sflag:$0x2], $0x400, s21, s20, $0x38;
	[tilespmem:$0x1E000] =	vst v63  }
0x4f: {  	s28 =	sadd.s32 $0xC00, s26;
	s29 =	sadd.s32 $0xC0, s25  }
0x50: {  	[hbm4b:s29+s20] =	stream.strided.scatter [tilespmem:s28], [sflag:$0x2], $0x400, s21, s20, $0x38;
	[tilespmem:$0x1E000] =	vst v63  }
0x51: {  	s28 =	sadd.s32 $0x1000, s26;
	s29 =	sadd.s32 $0x100, s25  }
0x52: {  	[hbm4b:s29+s20] =	stream.strided.scatter [tilespmem:s28], [sflag:$0x2], $0x400, s21, s20, $0x38;
	[tilespmem:$0x1E000] =	vst v63  }
.Ltmp1:
0x53: {  	s28 =	sadd.s32 $0x1400, s26;
	s29 =	sadd.s32 $0x140, s25;
	(pc) =	sbr.rel @p0 .LBB2_4-.Ltmp1, $4  }
0x54: {  	[hbm4b:s29+s20] =	stream.strided.scatter [tilespmem:s28], [sflag:$0x2], $0x400, s21, s20, $0x38;
	[tilespmem:$0x1E000] =	vst v63  }
0x55: {  	s28 =	sadd.s32 $0x1800, s26;
	s29 =	sadd.s32 $0x180, s25  }
0x56: {  	[hbm4b:s29+s20] =	stream.strided.scatter [tilespmem:s28], [sflag:$0x2], $0x400, s21, s20, $0x38;
	[tilespmem:$0x1E000] =	vst v63  }
0x57: {  	s26 =	sadd.s32 $0x1C00, s26;
	s28 =	sadd.s32 $0x1C0, s25;
	s25 =	sadd.s32 $0x1000, s25  }
0x58: {  	[hbm4b:s28+s20] =	stream.strided.scatter [tilespmem:s26], [sflag:$0x2], $0x400, s21, s20, $0x38;
	[tilespmem:$0x1E000] =	vst v63  }
0x59: {  	s24 =	simm.s32 $0x0  }
0x5a: {  	[hbm4b:s6+s20] =	stream.strided.scatter [tilespmem:s24], [sflag:$0x2], $0x400, s21, s20, $0x38;
	[tilespmem:$0x1E000] =	vst v63  }
0x5b: {  	s29 =	simm.s32 $0x400;
	s25 =	sadd.s32 $0x40, s6  }
0x5c: {  	[hbm4b:s25+s20] =	stream.strided.scatter [tilespmem:s29], [sflag:$0x2], $0x400, s21, s20, $0x38;
	[tilespmem:$0x1E000] =	vst v63  }
0x5d: {  	s26 =	simm.s32 $0x800;
	s29 =	sadd.s32 $0x80, s6  }
0x5e: {  	[hbm4b:s29+s20] =	stream.strided.scatter [tilespmem:s26], [sflag:$0x2], $0x400, s21, s20, $0x38;
	[tilespmem:$0x1E000] =	vst v63  }
0x5f: {  	s26 =	simm.s32 $0xC00;
	s29 =	sadd.s32 $0xC0, s6  }
0x60: {  	[hbm4b:s29+s20] =	stream.strided.scatter [tilespmem:s26], [sflag:$0x2], $0x400, s21, s20, $0x38;
	[tilespmem:$0x1E000] =	vst v63  }
0x61: {  	s26 =	simm.s32 $0x1000;
	s29 =	sadd.s32 $0x100, s6  }
0x62: {  	[hbm4b:s29+s20] =	stream.strided.scatter [tilespmem:s26], [sflag:$0x2], $0x400, s21, s20, $0x38;
	[tilespmem:$0x1E000] =	vst v63  }
0x63: {  	s26 =	simm.s32 $0x1400;
	s29 =	sadd.s32 $0x140, s6  }
0x64: {  	[hbm4b:s29+s20] =	stream.strided.scatter [tilespmem:s26], [sflag:$0x2], $0x400, s21, s20, $0x38;
	[tilespmem:$0x1E000] =	vst v63  }
0x65: {  	s28 =	sadd.s32 $0x1C0, s6;
	s26 =	simm.s32 $0x1800;
	s29 =	sadd.s32 $0x180, s6  }
0x66: {  	[hbm4b:s29+s20] =	stream.strided.scatter [tilespmem:s26], [sflag:$0x2], $0x400, s21, s20, $0x38;
	[tilespmem:$0x1E000] =	vst v63  }
0x67: {  	s24 =	simm.s32 $0x8000;
	s25 =	sadd.s32 $0x1000, s6;
	s26 =	simm.s32 $0x1C00  }
.LBB2_6:
0x68: {  	[hbm4b:s28+s20] =	stream.strided.scatter [tilespmem:s26], [sflag:$0x2], $0x400, s21, s20, $0x38;
	[tilespmem:$0x1E000] =	vst v63  }
0x69: {  	s26 =	sshra.s32 s24, $0x2;
	p0 =	sne.s32 s24, $0x70000;
	s24 =	sadd.s32 $0x8000, s24  }
0x6a: {  	[hbm4b:s25+s20] =	stream.strided.scatter [tilespmem:s26], [sflag:$0x2], $0x400, s21, s20, $0x38;
	[tilespmem:$0x1E000] =	vst v63  }
0x6b: {  	s29 =	sadd.s32 $0x40, s25;
	s28 =	sadd.s32 $0x400, s26  }
0x6c: {  	[hbm4b:s29+s20] =	stream.strided.scatter [tilespmem:s28], [sflag:$0x2], $0x400, s21, s20, $0x38;
	[tilespmem:$0x1E000] =	vst v63  }
0x6d: {  	s28 =	sadd.s32 $0x800, s26;
	s29 =	sadd.s32 $0x80, s25  }
0x6e: {  	[hbm4b:s29+s20] =	stream.strided.scatter [tilespmem:s28], [sflag:$0x2], $0x400, s21, s20, $0x38;
	[tilespmem:$0x1E000] =	vst v63  }
0x6f: {  	s28 =	sadd.s32 $0xC00, s26;
	s29 =	sadd.s32 $0xC0, s25  }
0x70: {  	[hbm4b:s29+s20] =	stream.strided.scatter [tilespmem:s28], [sflag:$0x2], $0x400, s21, s20, $0x38;
	[tilespmem:$0x1E000] =	vst v63  }
0x71: {  	s28 =	sadd.s32 $0x1000, s26;
	s29 =	sadd.s32 $0x100, s25  }
0x72: {  	[hbm4b:s29+s20] =	stream.strided.scatter [tilespmem:s28], [sflag:$0x2], $0x400, s21, s20, $0x38;
	[tilespmem:$0x1E000] =	vst v63  }
.Ltmp2:
0x73: {  	s28 =	sadd.s32 $0x1400, s26;
	s29 =	sadd.s32 $0x140, s25;
	(pc) =	sbr.rel @p0 .LBB2_6-.Ltmp2, $4  }
0x74: {  	[hbm4b:s29+s20] =	stream.strided.scatter [tilespmem:s28], [sflag:$0x2], $0x400, s21, s20, $0x38;
	[tilespmem:$0x1E000] =	vst v63  }
0x75: {  	s28 =	sadd.s32 $0x1800, s26;
	s29 =	sadd.s32 $0x180, s25  }
0x76: {  	[hbm4b:s29+s20] =	stream.strided.scatter [tilespmem:s28], [sflag:$0x2], $0x400, s21, s20, $0x38;
	[tilespmem:$0x1E000] =	vst v63  }
0x77: {  	s26 =	sadd.s32 $0x1C00, s26;
	s28 =	sadd.s32 $0x1C0, s25;
	s25 =	sadd.s32 $0x1000, s25  }
0x78: {  	[hbm4b:s28+s20] =	stream.strided.scatter [tilespmem:s26], [sflag:$0x2], $0x400, s21, s20, $0x38;
	[tilespmem:$0x1E000] =	vst v63  }
0x79: {  	s24 =	simm.s32 $0x0  }
0x7a: {  	[hbm4b:s7+s20] =	stream.strided.scatter [tilespmem:s24], [sflag:$0x2], $0x400, s21, s20, $0x38;
	[tilespmem:$0x1E000] =	vst v63  }
0x7b: {  	s29 =	simm.s32 $0x400;
	s25 =	sadd.s32 $0x40, s7  }
0x7c: {  	[hbm4b:s25+s20] =	stream.strided.scatter [tilespmem:s29], [sflag:$0x2], $0x400, s21, s20, $0x38;
	[tilespmem:$0x1E000] =	vst v63  }
0x7d: {  	s26 =	simm.s32 $0x800;
	s29 =	sadd.s32 $0x80, s7  }
0x7e: {  	[hbm4b:s29+s20] =	stream.strided.scatter [tilespmem:s26], [sflag:$0x2], $0x400, s21, s20, $0x38;
	[tilespmem:$0x1E000] =	vst v63  }
0x7f: {  	s26 =	simm.s32 $0xC00;
	s29 =	sadd.s32 $0xC0, s7  }
0x80: {  	[hbm4b:s29+s20] =	stream.strided.scatter [tilespmem:s26], [sflag:$0x2], $0x400, s21, s20, $0x38;
	[tilespmem:$0x1E000] =	vst v63  }
0x81: {  	s26 =	simm.s32 $0x1000;
	s29 =	sadd.s32 $0x100, s7  }
0x82: {  	[hbm4b:s29+s20] =	stream.strided.scatter [tilespmem:s26], [sflag:$0x2], $0x400, s21, s20, $0x38;
	[tilespmem:$0x1E000] =	vst v63  }
0x83: {  	s26 =	simm.s32 $0x1400;
	s29 =	sadd.s32 $0x140, s7  }
0x84: {  	[hbm4b:s29+s20] =	stream.strided.scatter [tilespmem:s26], [sflag:$0x2], $0x400, s21, s20, $0x38;
	[tilespmem:$0x1E000] =	vst v63  }
0x85: {  	s28 =	sadd.s32 $0x1C0, s7;
	s26 =	simm.s32 $0x1800;
	s29 =	sadd.s32 $0x180, s7  }
0x86: {  	[hbm4b:s29+s20] =	stream.strided.scatter [tilespmem:s26], [sflag:$0x2], $0x400, s21, s20, $0x38;
	[tilespmem:$0x1E000] =	vst v63  }
0x87: {  	s24 =	simm.s32 $0x8000;
	s25 =	sadd.s32 $0x1000, s7;
	s26 =	simm.s32 $0x1C00  }
.LBB2_8:
0x88: {  	[hbm4b:s28+s20] =	stream.strided.scatter [tilespmem:s26], [sflag:$0x2], $0x400, s21, s20, $0x38;
	[tilespmem:$0x1E000] =	vst v63  }
0x89: {  	s26 =	sshra.s32 s24, $0x2;
	p0 =	sne.s32 s24, $0x70000;
	s24 =	sadd.s32 $0x8000, s24  }
0x8a: {  	[hbm4b:s25+s20] =	stream.strided.scatter [tilespmem:s26], [sflag:$0x2], $0x400, s21, s20, $0x38;
	[tilespmem:$0x1E000] =	vst v63  }
0x8b: {  	s29 =	sadd.s32 $0x40, s25;
	s28 =	sadd.s32 $0x400, s26  }
0x8c: {  	[hbm4b:s29+s20] =	stream.strided.scatter [tilespmem:s28], [sflag:$0x2], $0x400, s21, s20, $0x38;
	[tilespmem:$0x1E000] =	vst v63  }
0x8d: {  	s28 =	sadd.s32 $0x800, s26;
	s29 =	sadd.s32 $0x80, s25  }
0x8e: {  	[hbm4b:s29+s20] =	stream.strided.scatter [tilespmem:s28], [sflag:$0x2], $0x400, s21, s20, $0x38;
	[tilespmem:$0x1E000] =	vst v63  }
0x8f: {  	s28 =	sadd.s32 $0xC00, s26;
	s29 =	sadd.s32 $0xC0, s25  }
0x90: {  	[hbm4b:s29+s20] =	stream.strided.scatter [tilespmem:s28], [sflag:$0x2], $0x400, s21, s20, $0x38;
	[tilespmem:$0x1E000] =	vst v63  }
0x91: {  	s28 =	sadd.s32 $0x1000, s26;
	s29 =	sadd.s32 $0x100, s25  }
0x92: {  	[hbm4b:s29+s20] =	stream.strided.scatter [tilespmem:s28], [sflag:$0x2], $0x400, s21, s20, $0x38;
	[tilespmem:$0x1E000] =	vst v63  }
.Ltmp3:
0x93: {  	s28 =	sadd.s32 $0x1400, s26;
	s29 =	sadd.s32 $0x140, s25;
	(pc) =	sbr.rel @p0 .LBB2_8-.Ltmp3, $4  }
0x94: {  	[hbm4b:s29+s20] =	stream.strided.scatter [tilespmem:s28], [sflag:$0x2], $0x400, s21, s20, $0x38;
	[tilespmem:$0x1E000] =	vst v63  }
0x95: {  	s28 =	sadd.s32 $0x1800, s26;
	s29 =	sadd.s32 $0x180, s25  }
0x96: {  	[hbm4b:s29+s20] =	stream.strided.scatter [tilespmem:s28], [sflag:$0x2], $0x400, s21, s20, $0x38;
	[tilespmem:$0x1E000] =	vst v63  }
0x97: {  	s26 =	sadd.s32 $0x1C00, s26;
	s28 =	sadd.s32 $0x1C0, s25;
	s25 =	sadd.s32 $0x1000, s25  }
0x98: {  	[hbm4b:s28+s20] =	stream.strided.scatter [tilespmem:s26], [sflag:$0x2], $0x400, s21, s20, $0x38;
	[tilespmem:$0x1E000] =	vst v63  }
0x99: {  	_ =	swait.ge [sflag:s22], $0x1E000  }
0x9a: {  	[sflag:s22] =	ssyncset.done $0x0  }
0x9b: {  	[sflag:s22] =	ssyncadd.s32 $0xFFFE2000  }
0x9c: {  	_ =	swait.ge [sflag:s22], $0x1E000  }
0x9d: {  	[sflag:s22] =	ssyncset.done $0x0  }
0x9e: {  	[sflag:s22] =	ssyncadd.s32 $0xFFFE2000  }
0x9f: {  	_ =	swait.ge [sflag:s22], $0x1E000  }
0xa0: {  	[sflag:s22] =	ssyncset.done $0x0  }
0xa1: {  	[sflag:s22] =	ssyncadd.s32 $0xFFFE2000  }
0xa2: {  	_ =	swait.ge [sflag:s22], $0x1E000  }
0xa3: {  	[sflag:s22] =	ssyncset.done $0x0  }
0xa4: {  	s24 =	simm.s32 $0x0;
	s25 =	rddreg [dreg:$0x4];
	[sflag:s22] =	ssyncadd.s32 $0xFFFE2000  }
0xa5: {  	[tilespmem:s24], [sflag:$0x1] =	stream.linear.gather [hbm4b:s25+s24], $0x1E000, $0x38;
	[tilespmem:$0x1E000] =	vst v63  }
0xa6: {  	_ =	swait.ge [sflag:s0], $0x1E000  }
0xa7: {  	[sflag:s0] =	ssyncset.done $0x0  }
0xa8: {  	s25 =	simm.s32 $0x0;
	[sflag:s0] =	ssyncadd.s32 $0xFFFE2000  }
0xa9: {  	[hbm4b:s9+s20] =	stream.strided.scatter [tilespmem:s25], [sflag:$0x2], $0x400, s21, s20, $0x38;
	[tilespmem:$0x1E000] =	vst v63  }
0xaa: {  	s26 =	simm.s32 $0x400;
	s29 =	sadd.s32 $0x40, s9  }
0xab: {  	[hbm4b:s29+s20] =	stream.strided.scatter [tilespmem:s26], [sflag:$0x2], $0x400, s21, s20, $0x38;
	[tilespmem:$0x1E000] =	vst v63  }
0xac: {  	s26 =	simm.s32 $0x800;
	s29 =	sadd.s32 $0x80, s9  }
0xad: {  	[hbm4b:s29+s20] =	stream.strided.scatter [tilespmem:s26], [sflag:$0x2], $0x400, s21, s20, $0x38;
	[tilespmem:$0x1E000] =	vst v63  }
0xae: {  	s26 =	simm.s32 $0xC00;
	s29 =	sadd.s32 $0xC0, s9  }
0xaf: {  	[hbm4b:s29+s20] =	stream.strided.scatter [tilespmem:s26], [sflag:$0x2], $0x400, s21, s20, $0x38;
	[tilespmem:$0x1E000] =	vst v63  }
0xb0: {  	s26 =	simm.s32 $0x1000;
	s29 =	sadd.s32 $0x100, s9  }
0xb1: {  	[hbm4b:s29+s20] =	stream.strided.scatter [tilespmem:s26], [sflag:$0x2], $0x400, s21, s20, $0x38;
	[tilespmem:$0x1E000] =	vst v63  }
0xb2: {  	s26 =	simm.s32 $0x1400;
	s29 =	sadd.s32 $0x140, s9  }
0xb3: {  	[hbm4b:s29+s20] =	stream.strided.scatter [tilespmem:s26], [sflag:$0x2], $0x400, s21, s20, $0x38;
	[tilespmem:$0x1E000] =	vst v63  }
0xb4: {  	s28 =	sadd.s32 $0x1C0, s9;
	s26 =	simm.s32 $0x1800;
	s29 =	sadd.s32 $0x180, s9  }
0xb5: {  	[hbm4b:s29+s20] =	stream.strided.scatter [tilespmem:s26], [sflag:$0x2], $0x400, s21, s20, $0x38;
	[tilespmem:$0x1E000] =	vst v63  }
0xb6: {  	s24 =	simm.s32 $0x8000;
	s25 =	sadd.s32 $0x1000, s9;
	s26 =	simm.s32 $0x1C00  }
.LBB2_10:
0xb7: {  	[hbm4b:s28+s20] =	stream.strided.scatter [tilespmem:s26], [sflag:$0x2], $0x400, s21, s20, $0x38;
	[tilespmem:$0x1E000] =	vst v63  }
0xb8: {  	s26 =	sshra.s32 s24, $0x2;
	p0 =	sne.s32 s24, $0x70000;
	s24 =	sadd.s32 $0x8000, s24  }
0xb9: {  	[hbm4b:s25+s20] =	stream.strided.scatter [tilespmem:s26], [sflag:$0x2], $0x400, s21, s20, $0x38;
	[tilespmem:$0x1E000] =	vst v63  }
0xba: {  	s29 =	sadd.s32 $0x40, s25;
	s28 =	sadd.s32 $0x400, s26  }
0xbb: {  	[hbm4b:s29+s20] =	stream.strided.scatter [tilespmem:s28], [sflag:$0x2], $0x400, s21, s20, $0x38;
	[tilespmem:$0x1E000] =	vst v63  }
0xbc: {  	s28 =	sadd.s32 $0x800, s26;
	s29 =	sadd.s32 $0x80, s25  }
0xbd: {  	[hbm4b:s29+s20] =	stream.strided.scatter [tilespmem:s28], [sflag:$0x2], $0x400, s21, s20, $0x38;
	[tilespmem:$0x1E000] =	vst v63  }
0xbe: {  	s28 =	sadd.s32 $0xC00, s26;
	s29 =	sadd.s32 $0xC0, s25  }
0xbf: {  	[hbm4b:s29+s20] =	stream.strided.scatter [tilespmem:s28], [sflag:$0x2], $0x400, s21, s20, $0x38;
	[tilespmem:$0x1E000] =	vst v63  }
0xc0: {  	s28 =	sadd.s32 $0x1000, s26;
	s29 =	sadd.s32 $0x100, s25  }
0xc1: {  	[hbm4b:s29+s20] =	stream.strided.scatter [tilespmem:s28], [sflag:$0x2], $0x400, s21, s20, $0x38;
	[tilespmem:$0x1E000] =	vst v63  }
.Ltmp4:
0xc2: {  	s28 =	sadd.s32 $0x1400, s26;
	s29 =	sadd.s32 $0x140, s25;
	(pc) =	sbr.rel @p0 .LBB2_10-.Ltmp4, $4  }
0xc3: {  	[hbm4b:s29+s20] =	stream.strided.scatter [tilespmem:s28], [sflag:$0x2], $0x400, s21, s20, $0x38;
	[tilespmem:$0x1E000] =	vst v63  }
0xc4: {  	s28 =	sadd.s32 $0x1800, s26;
	s29 =	sadd.s32 $0x180, s25  }
0xc5: {  	[hbm4b:s29+s20] =	stream.strided.scatter [tilespmem:s28], [sflag:$0x2], $0x400, s21, s20, $0x38;
	[tilespmem:$0x1E000] =	vst v63  }
0xc6: {  	s26 =	sadd.s32 $0x1C00, s26;
	s28 =	sadd.s32 $0x1C0, s25;
	s25 =	sadd.s32 $0x1000, s25  }
0xc7: {  	[hbm4b:s28+s20] =	stream.strided.scatter [tilespmem:s26], [sflag:$0x2], $0x400, s21, s20, $0x38;
	[tilespmem:$0x1E000] =	vst v63  }
0xc8: {  	s24 =	simm.s32 $0x0  }
0xc9: {  	[hbm4b:s10+s20] =	stream.strided.scatter [tilespmem:s24], [sflag:$0x2], $0x400, s21, s20, $0x38;
	[tilespmem:$0x1E000] =	vst v63  }
0xca: {  	s29 =	simm.s32 $0x400;
	s25 =	sadd.s32 $0x40, s10  }
0xcb: {  	[hbm4b:s25+s20] =	stream.strided.scatter [tilespmem:s29], [sflag:$0x2], $0x400, s21, s20, $0x38;
	[tilespmem:$0x1E000] =	vst v63  }
0xcc: {  	s26 =	simm.s32 $0x800;
	s29 =	sadd.s32 $0x80, s10  }
0xcd: {  	[hbm4b:s29+s20] =	stream.strided.scatter [tilespmem:s26], [sflag:$0x2], $0x400, s21, s20, $0x38;
	[tilespmem:$0x1E000] =	vst v63  }
0xce: {  	s26 =	simm.s32 $0xC00;
	s29 =	sadd.s32 $0xC0, s10  }
0xcf: {  	[hbm4b:s29+s20] =	stream.strided.scatter [tilespmem:s26], [sflag:$0x2], $0x400, s21, s20, $0x38;
	[tilespmem:$0x1E000] =	vst v63  }
0xd0: {  	s26 =	simm.s32 $0x1000;
	s29 =	sadd.s32 $0x100, s10  }
0xd1: {  	[hbm4b:s29+s20] =	stream.strided.scatter [tilespmem:s26], [sflag:$0x2], $0x400, s21, s20, $0x38;
	[tilespmem:$0x1E000] =	vst v63  }
0xd2: {  	s26 =	simm.s32 $0x1400;
	s29 =	sadd.s32 $0x140, s10  }
0xd3: {  	[hbm4b:s29+s20] =	stream.strided.scatter [tilespmem:s26], [sflag:$0x2], $0x400, s21, s20, $0x38;
	[tilespmem:$0x1E000] =	vst v63  }
0xd4: {  	s28 =	sadd.s32 $0x1C0, s10;
	s26 =	simm.s32 $0x1800;
	s29 =	sadd.s32 $0x180, s10  }
0xd5: {  	[hbm4b:s29+s20] =	stream.strided.scatter [tilespmem:s26], [sflag:$0x2], $0x400, s21, s20, $0x38;
	[tilespmem:$0x1E000] =	vst v63  }
0xd6: {  	s24 =	simm.s32 $0x8000;
	s25 =	sadd.s32 $0x1000, s10;
	s26 =	simm.s32 $0x1C00  }
.LBB2_12:
0xd7: {  	[hbm4b:s28+s20] =	stream.strided.scatter [tilespmem:s26], [sflag:$0x2], $0x400, s21, s20, $0x38;
	[tilespmem:$0x1E000] =	vst v63  }
0xd8: {  	s26 =	sshra.s32 s24, $0x2;
	p0 =	sne.s32 s24, $0x70000;
	s24 =	sadd.s32 $0x8000, s24  }
0xd9: {  	[hbm4b:s25+s20] =	stream.strided.scatter [tilespmem:s26], [sflag:$0x2], $0x400, s21, s20, $0x38;
	[tilespmem:$0x1E000] =	vst v63  }
0xda: {  	s29 =	sadd.s32 $0x40, s25;
	s28 =	sadd.s32 $0x400, s26  }
0xdb: {  	[hbm4b:s29+s20] =	stream.strided.scatter [tilespmem:s28], [sflag:$0x2], $0x400, s21, s20, $0x38;
	[tilespmem:$0x1E000] =	vst v63  }
0xdc: {  	s28 =	sadd.s32 $0x800, s26;
	s29 =	sadd.s32 $0x80, s25  }
0xdd: {  	[hbm4b:s29+s20] =	stream.strided.scatter [tilespmem:s28], [sflag:$0x2], $0x400, s21, s20, $0x38;
	[tilespmem:$0x1E000] =	vst v63  }
0xde: {  	s28 =	sadd.s32 $0xC00, s26;
	s29 =	sadd.s32 $0xC0, s25  }
0xdf: {  	[hbm4b:s29+s20] =	stream.strided.scatter [tilespmem:s28], [sflag:$0x2], $0x400, s21, s20, $0x38;
	[tilespmem:$0x1E000] =	vst v63  }
0xe0: {  	s28 =	sadd.s32 $0x1000, s26;
	s29 =	sadd.s32 $0x100, s25  }
0xe1: {  	[hbm4b:s29+s20] =	stream.strided.scatter [tilespmem:s28], [sflag:$0x2], $0x400, s21, s20, $0x38;
	[tilespmem:$0x1E000] =	vst v63  }
.Ltmp5:
0xe2: {  	s28 =	sadd.s32 $0x1400, s26;
	s29 =	sadd.s32 $0x140, s25;
	(pc) =	sbr.rel @p0 .LBB2_12-.Ltmp5, $4  }
0xe3: {  	[hbm4b:s29+s20] =	stream.strided.scatter [tilespmem:s28], [sflag:$0x2], $0x400, s21, s20, $0x38;
	[tilespmem:$0x1E000] =	vst v63  }
0xe4: {  	s28 =	sadd.s32 $0x1800, s26;
	s29 =	sadd.s32 $0x180, s25  }
0xe5: {  	[hbm4b:s29+s20] =	stream.strided.scatter [tilespmem:s28], [sflag:$0x2], $0x400, s21, s20, $0x38;
	[tilespmem:$0x1E000] =	vst v63  }
0xe6: {  	s26 =	sadd.s32 $0x1C00, s26;
	s28 =	sadd.s32 $0x1C0, s25;
	s25 =	sadd.s32 $0x1000, s25  }
0xe7: {  	[hbm4b:s28+s20] =	stream.strided.scatter [tilespmem:s26], [sflag:$0x2], $0x400, s21, s20, $0x38;
	[tilespmem:$0x1E000] =	vst v63  }
0xe8: {  	s24 =	simm.s32 $0x0  }
0xe9: {  	[hbm4b:s11+s20] =	stream.strided.scatter [tilespmem:s24], [sflag:$0x2], $0x400, s21, s20, $0x38;
	[tilespmem:$0x1E000] =	vst v63  }
0xea: {  	s29 =	simm.s32 $0x400;
	s25 =	sadd.s32 $0x40, s11  }
0xeb: {  	[hbm4b:s25+s20] =	stream.strided.scatter [tilespmem:s29], [sflag:$0x2], $0x400, s21, s20, $0x38;
	[tilespmem:$0x1E000] =	vst v63  }
0xec: {  	s26 =	simm.s32 $0x800;
	s29 =	sadd.s32 $0x80, s11  }
0xed: {  	[hbm4b:s29+s20] =	stream.strided.scatter [tilespmem:s26], [sflag:$0x2], $0x400, s21, s20, $0x38;
	[tilespmem:$0x1E000] =	vst v63  }
0xee: {  	s26 =	simm.s32 $0xC00;
	s29 =	sadd.s32 $0xC0, s11  }
0xef: {  	[hbm4b:s29+s20] =	stream.strided.scatter [tilespmem:s26], [sflag:$0x2], $0x400, s21, s20, $0x38;
	[tilespmem:$0x1E000] =	vst v63  }
0xf0: {  	s26 =	simm.s32 $0x1000;
	s29 =	sadd.s32 $0x100, s11  }
0xf1: {  	[hbm4b:s29+s20] =	stream.strided.scatter [tilespmem:s26], [sflag:$0x2], $0x400, s21, s20, $0x38;
	[tilespmem:$0x1E000] =	vst v63  }
0xf2: {  	s26 =	simm.s32 $0x1400;
	s29 =	sadd.s32 $0x140, s11  }
0xf3: {  	[hbm4b:s29+s20] =	stream.strided.scatter [tilespmem:s26], [sflag:$0x2], $0x400, s21, s20, $0x38;
	[tilespmem:$0x1E000] =	vst v63  }
0xf4: {  	s28 =	sadd.s32 $0x1C0, s11;
	s26 =	simm.s32 $0x1800;
	s29 =	sadd.s32 $0x180, s11  }
0xf5: {  	[hbm4b:s29+s20] =	stream.strided.scatter [tilespmem:s26], [sflag:$0x2], $0x400, s21, s20, $0x38;
	[tilespmem:$0x1E000] =	vst v63  }
0xf6: {  	s24 =	simm.s32 $0x8000;
	s25 =	sadd.s32 $0x1000, s11;
	s26 =	simm.s32 $0x1C00  }
.LBB2_14:
0xf7: {  	[hbm4b:s28+s20] =	stream.strided.scatter [tilespmem:s26], [sflag:$0x2], $0x400, s21, s20, $0x38;
	[tilespmem:$0x1E000] =	vst v63  }
0xf8: {  	s26 =	sshra.s32 s24, $0x2;
	p0 =	sne.s32 s24, $0x70000;
	s24 =	sadd.s32 $0x8000, s24  }
0xf9: {  	[hbm4b:s25+s20] =	stream.strided.scatter [tilespmem:s26], [sflag:$0x2], $0x400, s21, s20, $0x38;
	[tilespmem:$0x1E000] =	vst v63  }
0xfa: {  	s29 =	sadd.s32 $0x40, s25;
	s28 =	sadd.s32 $0x400, s26  }
0xfb: {  	[hbm4b:s29+s20] =	stream.strided.scatter [tilespmem:s28], [sflag:$0x2], $0x400, s21, s20, $0x38;
	[tilespmem:$0x1E000] =	vst v63  }
0xfc: {  	s28 =	sadd.s32 $0x800, s26;
	s29 =	sadd.s32 $0x80, s25  }
0xfd: {  	[hbm4b:s29+s20] =	stream.strided.scatter [tilespmem:s28], [sflag:$0x2], $0x400, s21, s20, $0x38;
	[tilespmem:$0x1E000] =	vst v63  }
0xfe: {  	s28 =	sadd.s32 $0xC00, s26;
	s29 =	sadd.s32 $0xC0, s25  }
0xff: {  	[hbm4b:s29+s20] =	stream.strided.scatter [tilespmem:s28], [sflag:$0x2], $0x400, s21, s20, $0x38;
	[tilespmem:$0x1E000] =	vst v63  }
0x100: {  	s28 =	sadd.s32 $0x1000, s26;
	s29 =	sadd.s32 $0x100, s25  }
0x101: {  	[hbm4b:s29+s20] =	stream.strided.scatter [tilespmem:s28], [sflag:$0x2], $0x400, s21, s20, $0x38;
	[tilespmem:$0x1E000] =	vst v63  }
.Ltmp6:
0x102: {  	s28 =	sadd.s32 $0x1400, s26;
	s29 =	sadd.s32 $0x140, s25;
	(pc) =	sbr.rel @p0 .LBB2_14-.Ltmp6, $4  }
0x103: {  	[hbm4b:s29+s20] =	stream.strided.scatter [tilespmem:s28], [sflag:$0x2], $0x400, s21, s20, $0x38;
	[tilespmem:$0x1E000] =	vst v63  }
0x104: {  	s28 =	sadd.s32 $0x1800, s26;
	s29 =	sadd.s32 $0x180, s25  }
0x105: {  	[hbm4b:s29+s20] =	stream.strided.scatter [tilespmem:s28], [sflag:$0x2], $0x400, s21, s20, $0x38;
	[tilespmem:$0x1E000] =	vst v63  }
0x106: {  	s26 =	sadd.s32 $0x1C00, s26;
	s28 =	sadd.s32 $0x1C0, s25;
	s25 =	sadd.s32 $0x1000, s25  }
0x107: {  	[hbm4b:s28+s20] =	stream.strided.scatter [tilespmem:s26], [sflag:$0x2], $0x400, s21, s20, $0x38;
	[tilespmem:$0x1E000] =	vst v63  }
0x108: {  	s24 =	simm.s32 $0x0  }
0x109: {  	[hbm4b:s12+s20] =	stream.strided.scatter [tilespmem:s24], [sflag:$0x2], $0x400, s21, s20, $0x38;
	[tilespmem:$0x1E000] =	vst v63  }
0x10a: {  	[dreg:$0x7] =	wrdreg s1;
	s1 =	simm.s32 $0x400;
	s25 =	sadd.s32 $0x40, s12  }
0x10b: {  	[hbm4b:s25+s20] =	stream.strided.scatter [tilespmem:s1], [sflag:$0x2], $0x400, s21, s20, $0x38;
	[tilespmem:$0x1E000] =	vst v63  }
0x10c: {  	s26 =	sadd.s32 $0x80, s12;
	s25 =	simm.s32 $0x800  }
0x10d: {  	[hbm4b:s26+s20] =	stream.strided.scatter [tilespmem:s25], [sflag:$0x2], $0x400, s21, s20, $0x38;
	[tilespmem:$0x1E000] =	vst v63  }
0x10e: {  	s29 =	simm.s32 $0xC00;
	s1 =	sadd.s32 $0xC0, s12  }
0x10f: {  	[hbm4b:s1+s20] =	stream.strided.scatter [tilespmem:s29], [sflag:$0x2], $0x400, s21, s20, $0x38;
	[tilespmem:$0x1E000] =	vst v63  }
0x110: {  	s25 =	simm.s32 $0x1000;
	s26 =	sadd.s32 $0x100, s12  }
0x111: {  	[hbm4b:s26+s20] =	stream.strided.scatter [tilespmem:s25], [sflag:$0x2], $0x400, s21, s20, $0x38;
	[tilespmem:$0x1E000] =	vst v63  }
0x112: {  	s29 =	simm.s32 $0x1400;
	s1 =	sadd.s32 $0x140, s12  }
0x113: {  	[hbm4b:s1+s20] =	stream.strided.scatter [tilespmem:s29], [sflag:$0x2], $0x400, s21, s20, $0x38;
	[tilespmem:$0x1E000] =	vst v63  }
0x114: {  	s28 =	sadd.s32 $0x1C0, s12;
	s26 =	simm.s32 $0x1800;
	s29 =	sadd.s32 $0x180, s12  }
0x115: {  	[hbm4b:s29+s20] =	stream.strided.scatter [tilespmem:s26], [sflag:$0x2], $0x400, s21, s20, $0x38;
	[tilespmem:$0x1E000] =	vst v63  }
0x116: {  	s24 =	simm.s32 $0x8000;
	s25 =	sadd.s32 $0x1000, s12;
	s26 =	simm.s32 $0x1C00  }
.LBB2_16:
0x117: {  	[hbm4b:s28+s20] =	stream.strided.scatter [tilespmem:s26], [sflag:$0x2], $0x400, s21, s20, $0x38;
	[tilespmem:$0x1E000] =	vst v63  }
0x118: {  	s26 =	sshra.s32 s24, $0x2;
	p0 =	sne.s32 s24, $0x70000;
	s24 =	sadd.s32 $0x8000, s24  }
0x119: {  	[hbm4b:s25+s20] =	stream.strided.scatter [tilespmem:s26], [sflag:$0x2], $0x400, s21, s20, $0x38;
	[tilespmem:$0x1E000] =	vst v63  }
0x11a: {  	s29 =	sadd.s32 $0x40, s25;
	s28 =	sadd.s32 $0x400, s26  }
0x11b: {  	[hbm4b:s29+s20] =	stream.strided.scatter [tilespmem:s28], [sflag:$0x2], $0x400, s21, s20, $0x38;
	[tilespmem:$0x1E000] =	vst v63  }
0x11c: {  	s28 =	sadd.s32 $0x800, s26;
	s29 =	sadd.s32 $0x80, s25  }
0x11d: {  	[hbm4b:s29+s20] =	stream.strided.scatter [tilespmem:s28], [sflag:$0x2], $0x400, s21, s20, $0x38;
	[tilespmem:$0x1E000] =	vst v63  }
0x11e: {  	s28 =	sadd.s32 $0xC00, s26;
	s29 =	sadd.s32 $0xC0, s25  }
0x11f: {  	[hbm4b:s29+s20] =	stream.strided.scatter [tilespmem:s28], [sflag:$0x2], $0x400, s21, s20, $0x38;
	[tilespmem:$0x1E000] =	vst v63  }
0x120: {  	s28 =	sadd.s32 $0x1000, s26;
	s29 =	sadd.s32 $0x100, s25  }
0x121: {  	[hbm4b:s29+s20] =	stream.strided.scatter [tilespmem:s28], [sflag:$0x2], $0x400, s21, s20, $0x38;
	[tilespmem:$0x1E000] =	vst v63  }
.Ltmp7:
0x122: {  	s28 =	sadd.s32 $0x1400, s26;
	s29 =	sadd.s32 $0x140, s25;
	(pc) =	sbr.rel @p0 .LBB2_16-.Ltmp7, $4  }
0x123: {  	[hbm4b:s29+s20] =	stream.strided.scatter [tilespmem:s28], [sflag:$0x2], $0x400, s21, s20, $0x38;
	[tilespmem:$0x1E000] =	vst v63  }
0x124: {  	s28 =	sadd.s32 $0x1800, s26;
	s29 =	sadd.s32 $0x180, s25  }
0x125: {  	[hbm4b:s29+s20] =	stream.strided.scatter [tilespmem:s28], [sflag:$0x2], $0x400, s21, s20, $0x38;
	[tilespmem:$0x1E000] =	vst v63  }
0x126: {  	s26 =	sadd.s32 $0x1C00, s26;
	s28 =	sadd.s32 $0x1C0, s25;
	s25 =	sadd.s32 $0x1000, s25  }
0x127: {  	[hbm4b:s28+s20] =	stream.strided.scatter [tilespmem:s26], [sflag:$0x2], $0x400, s21, s20, $0x38;
	[tilespmem:$0x1E000] =	vst v63  }
0x128: {  	_ =	swait.ge [sflag:s22], $0x1E000  }
0x129: {  	[sflag:s22] =	ssyncset.done $0x0  }
0x12a: {  	[sflag:s22] =	ssyncadd.s32 $0xFFFE2000  }
0x12b: {  	_ =	swait.ge [sflag:s22], $0x1E000  }
0x12c: {  	[sflag:s22] =	ssyncset.done $0x0  }
0x12d: {  	[sflag:s22] =	ssyncadd.s32 $0xFFFE2000  }
0x12e: {  	_ =	swait.ge [sflag:s22], $0x1E000  }
0x12f: {  	[sflag:s22] =	ssyncset.done $0x0  }
0x130: {  	[sflag:s22] =	ssyncadd.s32 $0xFFFE2000  }
0x131: {  	_ =	swait.ge [sflag:s22], $0x1E000  }
0x132: {  	[sflag:s22] =	ssyncset.done $0x0  }
0x133: {  	s24 =	rddreg [dreg:$0x5];
	[sflag:s22] =	ssyncadd.s32 $0xFFFE2000  }
0x134: {  	[tilespmem:s2], [sflag:$0x1] =	stream.linear.gather [hbm4b:s24+s2], $0x4000, $0x38;
	[tilespmem:$0x1E000] =	vst v63  }
0x135: {  	_ =	swait.ge [sflag:s0], $0x4000  }
0x136: {  	[sflag:s0] =	ssyncset.done $0x0  }
0x137: {  	[sflag:s0] =	ssyncadd.s32 $0xFFFFC000  }
0x138: {  	[hbm4b:s14+s20] =	stream.strided.scatter [tilespmem:s2], [sflag:$0x2], $0x400, s21, s20, $0x38;
	[tilespmem:$0x1E000] =	vst v63  }
0x139: {  	s26 =	sadd.s32 $0x40, s14;
	s25 =	simm.s32 $0x400  }
0x13a: {  	[hbm4b:s26+s20] =	stream.strided.scatter [tilespmem:s25], [sflag:$0x2], $0x400, s21, s20, $0x38;
	[tilespmem:$0x1E000] =	vst v63  }
0x13b: {  	s28 =	sadd.s32 $0x80, s14;
	s26 =	simm.s32 $0x800  }
0x13c: {  	[hbm4b:s28+s20] =	stream.strided.scatter [tilespmem:s26], [sflag:$0x2], $0x400, s21, s20, $0x38;
	[tilespmem:$0x1E000] =	vst v63  }
0x13d: {  	s29 =	sadd.s32 $0xC0, s14;
	s28 =	simm.s32 $0xC00  }
0x13e: {  	[hbm4b:s29+s20] =	stream.strided.scatter [tilespmem:s28], [sflag:$0x2], $0x400, s21, s20, $0x38;
	[tilespmem:$0x1E000] =	vst v63  }
0x13f: {  	s0 =	sadd.s32 $0x100, s14  }
0x140: {  	[hbm4b:s0+s20] =	stream.strided.scatter [tilespmem:s21], [sflag:$0x2], $0x400, s21, s20, $0x38;
	[tilespmem:$0x1E000] =	vst v63  }
0x141: {  	s1 =	sadd.s32 $0x140, s14;
	s29 =	simm.s32 $0x1400  }
0x142: {  	[hbm4b:s1+s20] =	stream.strided.scatter [tilespmem:s29], [sflag:$0x2], $0x400, s21, s20, $0x38;
	[tilespmem:$0x1E000] =	vst v63  }
0x143: {  	s2 =	sadd.s32 $0x180, s14  }
0x144: {  	[hbm4b:s2+s20] =	stream.strided.scatter [tilespmem:s30], [sflag:$0x2], $0x400, s21, s20, $0x38;
	[tilespmem:$0x1E000] =	vst v63  }
0x145: {  	s0 =	sadd.s32 $0x1C0, s14  }
0x146: {  	[hbm4b:s0+s20] =	stream.strided.scatter [tilespmem:s31], [sflag:$0x2], $0x400, s21, s20, $0x38;
	[tilespmem:$0x1E000] =	vst v63  }
0x147: {  	s1 =	sadd.s32 $0x1000, s14;
	s0 =	simm.s32 $0x2000  }
0x148: {  	[hbm4b:s1+s20] =	stream.strided.scatter [tilespmem:s0], [sflag:$0x2], $0x400, s21, s20, $0x38;
	[tilespmem:$0x1E000] =	vst v63  }
0x149: {  	s2 =	sadd.s32 $0x1040, s14;
	s1 =	simm.s32 $0x2400  }
0x14a: {  	[hbm4b:s2+s20] =	stream.strided.scatter [tilespmem:s1], [sflag:$0x2], $0x400, s21, s20, $0x38;
	[tilespmem:$0x1E000] =	vst v63  }
0x14b: {  	s2 =	sadd.s32 $0x1080, s14  }
0x14c: {  	[hbm4b:s2+s20] =	stream.strided.scatter [tilespmem:s3], [sflag:$0x2], $0x400, s21, s20, $0x38;
	[tilespmem:$0x1E000] =	vst v63  }
0x14d: {  	s2 =	sadd.s32 $0x10C0, s14  }
0x14e: {  	[hbm4b:s2+s20] =	stream.strided.scatter [tilespmem:s8], [sflag:$0x2], $0x400, s21, s20, $0x38;
	[tilespmem:$0x1E000] =	vst v63  }
0x14f: {  	s2 =	sadd.s32 $0x1100, s14  }
0x150: {  	[hbm4b:s2+s20] =	stream.strided.scatter [tilespmem:s13], [sflag:$0x2], $0x400, s21, s20, $0x38;
	[tilespmem:$0x1E000] =	vst v63  }
0x151: {  	s2 =	sadd.s32 $0x1140, s14  }
0x152: {  	[hbm4b:s2+s20] =	stream.strided.scatter [tilespmem:s18], [sflag:$0x2], $0x400, s21, s20, $0x38;
	[tilespmem:$0x1E000] =	vst v63  }
0x153: {  	s24 =	sadd.s32 $0x1180, s14;
	s2 =	simm.s32 $0x3800  }
0x154: {  	[hbm4b:s24+s20] =	stream.strided.scatter [tilespmem:s2], [sflag:$0x2], $0x400, s21, s20, $0x38;
	[tilespmem:$0x1E000] =	vst v63  }
0x155: {  	s24 =	sadd.s32 $0x11C0, s14  }
0x156: {  	[hbm4b:s24+s20] =	stream.strided.scatter [tilespmem:s23], [sflag:$0x2], $0x400, s21, s20, $0x38;
	[tilespmem:$0x1E000] =	vst v63  }
0x157: {  	_ = 	snop  }
0x158: {  	[hbm4b:s15+s20] =	stream.strided.scatter [tilespmem:s19], [sflag:$0x2], $0x400, s21, s20, $0x38;
	[tilespmem:$0x1E000] =	vst v63  }
0x159: {  	s24 =	sadd.s32 $0x40, s15  }
0x15a: {  	[hbm4b:s24+s20] =	stream.strided.scatter [tilespmem:s25], [sflag:$0x2], $0x400, s21, s20, $0x38;
	[tilespmem:$0x1E000] =	vst v63  }
0x15b: {  	s24 =	sadd.s32 $0x80, s15  }
0x15c: {  	[hbm4b:s24+s20] =	stream.strided.scatter [tilespmem:s26], [sflag:$0x2], $0x400, s21, s20, $0x38;
	[tilespmem:$0x1E000] =	vst v63  }
0x15d: {  	s24 =	sadd.s32 $0xC0, s15  }
0x15e: {  	[hbm4b:s24+s20] =	stream.strided.scatter [tilespmem:s28], [sflag:$0x2], $0x400, s21, s20, $0x38;
	[tilespmem:$0x1E000] =	vst v63  }
0x15f: {  	s24 =	sadd.s32 $0x100, s15  }
0x160: {  	[hbm4b:s24+s20] =	stream.strided.scatter [tilespmem:s21], [sflag:$0x2], $0x400, s21, s20, $0x38;
	[tilespmem:$0x1E000] =	vst v63  }
0x161: {  	s24 =	sadd.s32 $0x140, s15  }
0x162: {  	[hbm4b:s24+s20] =	stream.strided.scatter [tilespmem:s29], [sflag:$0x2], $0x400, s21, s20, $0x38;
	[tilespmem:$0x1E000] =	vst v63  }
0x163: {  	s24 =	sadd.s32 $0x180, s15  }
0x164: {  	[hbm4b:s24+s20] =	stream.strided.scatter [tilespmem:s30], [sflag:$0x2], $0x400, s21, s20, $0x38;
	[tilespmem:$0x1E000] =	vst v63  }
0x165: {  	s24 =	sadd.s32 $0x1C0, s15  }
0x166: {  	[hbm4b:s24+s20] =	stream.strided.scatter [tilespmem:s31], [sflag:$0x2], $0x400, s21, s20, $0x38;
	[tilespmem:$0x1E000] =	vst v63  }
0x167: {  	s24 =	sadd.s32 $0x1000, s15  }
0x168: {  	[hbm4b:s24+s20] =	stream.strided.scatter [tilespmem:s0], [sflag:$0x2], $0x400, s21, s20, $0x38;
	[tilespmem:$0x1E000] =	vst v63  }
0x169: {  	s24 =	sadd.s32 $0x1040, s15  }
0x16a: {  	[hbm4b:s24+s20] =	stream.strided.scatter [tilespmem:s1], [sflag:$0x2], $0x400, s21, s20, $0x38;
	[tilespmem:$0x1E000] =	vst v63  }
0x16b: {  	s24 =	sadd.s32 $0x1080, s15  }
0x16c: {  	[hbm4b:s24+s20] =	stream.strided.scatter [tilespmem:s3], [sflag:$0x2], $0x400, s21, s20, $0x38;
	[tilespmem:$0x1E000] =	vst v63  }
0x16d: {  	s24 =	sadd.s32 $0x10C0, s15  }
0x16e: {  	[hbm4b:s24+s20] =	stream.strided.scatter [tilespmem:s8], [sflag:$0x2], $0x400, s21, s20, $0x38;
	[tilespmem:$0x1E000] =	vst v63  }
0x16f: {  	s24 =	sadd.s32 $0x1100, s15  }
0x170: {  	[hbm4b:s24+s20] =	stream.strided.scatter [tilespmem:s13], [sflag:$0x2], $0x400, s21, s20, $0x38;
	[tilespmem:$0x1E000] =	vst v63  }
0x171: {  	s24 =	sadd.s32 $0x1140, s15  }
0x172: {  	[hbm4b:s24+s20] =	stream.strided.scatter [tilespmem:s18], [sflag:$0x2], $0x400, s21, s20, $0x38;
	[tilespmem:$0x1E000] =	vst v63  }
0x173: {  	s24 =	sadd.s32 $0x1180, s15  }
0x174: {  	[hbm4b:s24+s20] =	stream.strided.scatter [tilespmem:s2], [sflag:$0x2], $0x400, s21, s20, $0x38;
	[tilespmem:$0x1E000] =	vst v63  }
0x175: {  	s24 =	sadd.s32 $0x11C0, s15  }
0x176: {  	[hbm4b:s24+s20] =	stream.strided.scatter [tilespmem:s23], [sflag:$0x2], $0x400, s21, s20, $0x38;
	[tilespmem:$0x1E000] =	vst v63  }
0x177: {  	_ = 	snop  }
0x178: {  	[hbm4b:s16+s20] =	stream.strided.scatter [tilespmem:s19], [sflag:$0x2], $0x400, s21, s20, $0x38;
	[tilespmem:$0x1E000] =	vst v63  }
0x179: {  	s24 =	sadd.s32 $0x40, s16  }
0x17a: {  	[hbm4b:s24+s20] =	stream.strided.scatter [tilespmem:s25], [sflag:$0x2], $0x400, s21, s20, $0x38;
	[tilespmem:$0x1E000] =	vst v63  }
0x17b: {  	s24 =	sadd.s32 $0x80, s16  }
0x17c: {  	[hbm4b:s24+s20] =	stream.strided.scatter [tilespmem:s26], [sflag:$0x2], $0x400, s21, s20, $0x38;
	[tilespmem:$0x1E000] =	vst v63  }
0x17d: {  	s24 =	sadd.s32 $0xC0, s16  }
0x17e: {  	[hbm4b:s24+s20] =	stream.strided.scatter [tilespmem:s28], [sflag:$0x2], $0x400, s21, s20, $0x38;
	[tilespmem:$0x1E000] =	vst v63  }
0x17f: {  	s24 =	sadd.s32 $0x100, s16  }
0x180: {  	[hbm4b:s24+s20] =	stream.strided.scatter [tilespmem:s21], [sflag:$0x2], $0x400, s21, s20, $0x38;
	[tilespmem:$0x1E000] =	vst v63  }
0x181: {  	s24 =	sadd.s32 $0x140, s16  }
0x182: {  	[hbm4b:s24+s20] =	stream.strided.scatter [tilespmem:s29], [sflag:$0x2], $0x400, s21, s20, $0x38;
	[tilespmem:$0x1E000] =	vst v63  }
0x183: {  	s24 =	sadd.s32 $0x180, s16  }
0x184: {  	[hbm4b:s24+s20] =	stream.strided.scatter [tilespmem:s30], [sflag:$0x2], $0x400, s21, s20, $0x38;
	[tilespmem:$0x1E000] =	vst v63  }
0x185: {  	s24 =	sadd.s32 $0x1C0, s16  }
0x186: {  	[hbm4b:s24+s20] =	stream.strided.scatter [tilespmem:s31], [sflag:$0x2], $0x400, s21, s20, $0x38;
	[tilespmem:$0x1E000] =	vst v63  }
0x187: {  	s24 =	sadd.s32 $0x1000, s16  }
0x188: {  	[hbm4b:s24+s20] =	stream.strided.scatter [tilespmem:s0], [sflag:$0x2], $0x400, s21, s20, $0x38;
	[tilespmem:$0x1E000] =	vst v63  }
0x189: {  	s24 =	sadd.s32 $0x1040, s16  }
0x18a: {  	[hbm4b:s24+s20] =	stream.strided.scatter [tilespmem:s1], [sflag:$0x2], $0x400, s21, s20, $0x38;
	[tilespmem:$0x1E000] =	vst v63  }
0x18b: {  	s24 =	sadd.s32 $0x1080, s16  }
0x18c: {  	[hbm4b:s24+s20] =	stream.strided.scatter [tilespmem:s3], [sflag:$0x2], $0x400, s21, s20, $0x38;
	[tilespmem:$0x1E000] =	vst v63  }
0x18d: {  	s24 =	sadd.s32 $0x10C0, s16  }
0x18e: {  	[hbm4b:s24+s20] =	stream.strided.scatter [tilespmem:s8], [sflag:$0x2], $0x400, s21, s20, $0x38;
	[tilespmem:$0x1E000] =	vst v63  }
0x18f: {  	s24 =	sadd.s32 $0x1100, s16  }
0x190: {  	[hbm4b:s24+s20] =	stream.strided.scatter [tilespmem:s13], [sflag:$0x2], $0x400, s21, s20, $0x38;
	[tilespmem:$0x1E000] =	vst v63  }
0x191: {  	s24 =	sadd.s32 $0x1140, s16  }
0x192: {  	[hbm4b:s24+s20] =	stream.strided.scatter [tilespmem:s18], [sflag:$0x2], $0x400, s21, s20, $0x38;
	[tilespmem:$0x1E000] =	vst v63  }
0x193: {  	s24 =	sadd.s32 $0x1180, s16  }
0x194: {  	[hbm4b:s24+s20] =	stream.strided.scatter [tilespmem:s2], [sflag:$0x2], $0x400, s21, s20, $0x38;
	[tilespmem:$0x1E000] =	vst v63  }
0x195: {  	s24 =	sadd.s32 $0x11C0, s16  }
0x196: {  	[hbm4b:s24+s20] =	stream.strided.scatter [tilespmem:s23], [sflag:$0x2], $0x400, s21, s20, $0x38;
	[tilespmem:$0x1E000] =	vst v63  }
0x197: {  	_ = 	snop  }
0x198: {  	[hbm4b:s17+s20] =	stream.strided.scatter [tilespmem:s19], [sflag:$0x2], $0x400, s21, s20, $0x38;
	[tilespmem:$0x1E000] =	vst v63  }
0x199: {  	s24 =	sadd.s32 $0x40, s17  }
0x19a: {  	[hbm4b:s24+s20] =	stream.strided.scatter [tilespmem:s25], [sflag:$0x2], $0x400, s21, s20, $0x38;
	[tilespmem:$0x1E000] =	vst v63  }
0x19b: {  	s25 =	sadd.s32 $0x80, s17  }
0x19c: {  	[hbm4b:s25+s20] =	stream.strided.scatter [tilespmem:s26], [sflag:$0x2], $0x400, s21, s20, $0x38;
	[tilespmem:$0x1E000] =	vst v63  }
0x19d: {  	s26 =	sadd.s32 $0xC0, s17  }
0x19e: {  	[hbm4b:s26+s20] =	stream.strided.scatter [tilespmem:s28], [sflag:$0x2], $0x400, s21, s20, $0x38;
	[tilespmem:$0x1E000] =	vst v63  }
0x19f: {  	s28 =	sadd.s32 $0x100, s17  }
0x1a0: {  	[hbm4b:s28+s20] =	stream.strided.scatter [tilespmem:s21], [sflag:$0x2], $0x400, s21, s20, $0x38;
	[tilespmem:$0x1E000] =	vst v63  }
0x1a1: {  	s25 =	sadd.s32 $0x140, s17  }
0x1a2: {  	[hbm4b:s25+s20] =	stream.strided.scatter [tilespmem:s29], [sflag:$0x2], $0x400, s21, s20, $0x38;
	[tilespmem:$0x1E000] =	vst v63  }
0x1a3: {  	s26 =	sadd.s32 $0x180, s17  }
0x1a4: {  	[hbm4b:s26+s20] =	stream.strided.scatter [tilespmem:s30], [sflag:$0x2], $0x400, s21, s20, $0x38;
	[tilespmem:$0x1E000] =	vst v63  }
0x1a5: {  	s28 =	sadd.s32 $0x1C0, s17  }
0x1a6: {  	[hbm4b:s28+s20] =	stream.strided.scatter [tilespmem:s31], [sflag:$0x2], $0x400, s21, s20, $0x38;
	[tilespmem:$0x1E000] =	vst v63  }
0x1a7: {  	s29 =	sadd.s32 $0x1000, s17  }
0x1a8: {  	[hbm4b:s29+s20] =	stream.strided.scatter [tilespmem:s0], [sflag:$0x2], $0x400, s21, s20, $0x38;
	[tilespmem:$0x1E000] =	vst v63  }
0x1a9: {  	s25 =	sadd.s32 $0x1040, s17  }
0x1aa: {  	[hbm4b:s25+s20] =	stream.strided.scatter [tilespmem:s1], [sflag:$0x2], $0x400, s21, s20, $0x38;
	[tilespmem:$0x1E000] =	vst v63  }
0x1ab: {  	s26 =	sadd.s32 $0x1080, s17  }
0x1ac: {  	[hbm4b:s26+s20] =	stream.strided.scatter [tilespmem:s3], [sflag:$0x2], $0x400, s21, s20, $0x38;
	[tilespmem:$0x1E000] =	vst v63  }
0x1ad: {  	s28 =	sadd.s32 $0x10C0, s17  }
0x1ae: {  	[hbm4b:s28+s20] =	stream.strided.scatter [tilespmem:s8], [sflag:$0x2], $0x400, s21, s20, $0x38;
	[tilespmem:$0x1E000] =	vst v63  }
0x1af: {  	s29 =	sadd.s32 $0x1100, s17  }
0x1b0: {  	[hbm4b:s29+s20] =	stream.strided.scatter [tilespmem:s13], [sflag:$0x2], $0x400, s21, s20, $0x38;
	[tilespmem:$0x1E000] =	vst v63  }
0x1b1: {  	s1 =	sadd.s32 $0x1140, s17  }
0x1b2: {  	[hbm4b:s1+s20] =	stream.strided.scatter [tilespmem:s18], [sflag:$0x2], $0x400, s21, s20, $0x38;
	[tilespmem:$0x1E000] =	vst v63  }
0x1b3: {  	s25 =	sadd.s32 $0x1180, s17  }
0x1b4: {  	[hbm4b:s25+s20] =	stream.strided.scatter [tilespmem:s2], [sflag:$0x2], $0x400, s21, s20, $0x38;
	[tilespmem:$0x1E000] =	vst v63  }
0x1b5: {  	s26 =	sadd.s32 $0x11C0, s17  }
0x1b6: {  	[hbm4b:s26+s20] =	stream.strided.scatter [tilespmem:s23], [sflag:$0x2], $0x400, s21, s20, $0x38;
	[tilespmem:$0x1E000] =	vst v63  }
0x1b7: {  	_ =	swait.ge [sflag:s22], $0x4000  }
0x1b8: {  	[sflag:s22] =	ssyncset.done $0x0  }
0x1b9: {  	[sflag:s22] =	ssyncadd.s32 $0xFFFFC000  }
0x1ba: {  	_ =	swait.ge [sflag:s22], $0x4000  }
0x1bb: {  	[sflag:s22] =	ssyncset.done $0x0  }
0x1bc: {  	[sflag:s22] =	ssyncadd.s32 $0xFFFFC000  }
0x1bd: {  	_ =	swait.ge [sflag:s22], $0x4000  }
0x1be: {  	[sflag:s22] =	ssyncset.done $0x0  }
0x1bf: {  	[sflag:s22] =	ssyncadd.s32 $0xFFFFC000  }
0x1c0: {  	_ =	swait.ge [sflag:s22], $0x4000  }
0x1c1: {  	s28 =	rddreg [dreg:$0x7]  }
0x1c2: {  	s29 =	rddreg [dreg:$0x6];
	s1 =	sadd.s32 $0x1, s28  }
0x1c3: {  	p0 =	sne.s32 s1, s29  }
.Ltmp8:
0x1c4: {  	_ = 	snop;
	(pc) =	sbr.rel @p0 .LBB2_1-.Ltmp8, $3  }
0x1c5: {  	_ =	sdelay $0x1  }
0x1c6: {  	[sflag:s22] =	ssyncset.done $0x0  }
0x1c7: {  	s0 =	simm.s32 $0x1;
	s2 =	simm.s32 $0x0;
	[sflag:s22] =	ssyncadd.s32 $0xFFFFC000  }
0x1c8: {  	_ =	sfence.sel $0x180000  }
0x1c9: {  	[bflag:$0x0] =	sbarrier.arrive $0xFFFF  }
0x1ca: {  	_ =	strace $0x90000047  }
0x1cb: {  	s0 =	stileid.u32;
	[bflag:$0x2] =	sbarrier.arrive $0xFFFF  }
0x1cc: {  	p0 =	sne.s32 s0, $0x0;
	s0 =	rddreg [dreg:$0x2]  }
0x1cd: {  	s0 =	sadd.s32 @!p0 $0x100000, s0  }
0x1ce: {  	[sflag:s0] =	ssyncadd.tile.s32 @!p0 $0x1;
	_ =	shalt  }
.Lfunc_end2:
_tile_overlayer_lowered:
.L_overlay_start_2:
0x1cf: {  	(tag) =	ssettag $0x2  }
0x1d0: {  	s0 =	rddreg [dreg:$0x0];
	s2 =	stileid.u32  }
0x1d1: {  	s1 =	rddreg [dreg:$0x1];
	p0 =	sne.s32 s2, $0x0  }
0x1d2: {  	s3 =	rddreg [dreg:$0x2];
	[bflag:$0x3] =	sbarrier.arrive $0xFFFF;
	s2 =	simm.s32 @!p0 $0x1C03  }
0x1d3: {  	[timem:s3], [sflag:s2] =	dma.local @!p0 [hbm:s0], s1  }
0x1d4: {  	s0 =	simm.s32 @!p0 $0x3  }
0x1d5: {  	_ =	swait.ge @!p0 [sflag:s0], s1  }
0x1d6: {  	s1 =	ssub.s32 @!p0 $0x0, s1;
	[sflag:s0] =	ssyncset.done @!p0 $0x0  }
0x1d7: {  	[sflag:s0] =	ssyncadd.s32 @!p0 s1  }
0x1d8: {  	[bflag:$0x3] =	sbarrier.arrive $0xFFFF  }
0x1d9: {  	_ =	shalt  }

</sc_bundles>
